<compile_context>
chip_gen: v7x
topology: tpu7x:2x2x1
jax: 0.10.2.dev20260603
libtpu: 0.0.44.dev20260713+nightly
codegen_flags: <defaults>
</compile_context>

<pallas_src>
import jax
import jax.numpy as jnp
from jax import lax
from jax.experimental import pallas as pl
from jax.experimental.pallas import tpu as pltpu
from jax.experimental.pallas import tpu_sc as plsc

N = 5000
NP = 5120
B = 128
NB = NP // B
D = 1024
NUM_CLASSES = 81
MAX_OUT = 300
MP = 384
IOU_THRESH = 0.7

_HI = jax.lax.Precision.HIGHEST
_SC_PARAMS = pltpu.CompilerParams(needs_layout_passes=False)


def _rank_body(sr_ref, rank_ref):
    ia = lax.broadcasted_iota(jnp.int32, (B, B), 0)
    ib = lax.broadcasted_iota(jnp.int32, (B, B), 1)
    ident = (ia == ib).astype(jnp.float32)

    def row_block(a, _):
        sa = sr_ref[:, pl.ds(a * B, B)]
        sac = _tcol(ident, sa)

        def col_block(q, acc):
            for u in range(4):
                b = q * 4 + u
                sb = sr_ref[:, pl.ds(b * B, B)]
                acc = acc + jnp.where(b < a, (sb >= sac).astype(jnp.float32),
                                      (sb > sac).astype(jnp.float32))
            return acc

        acc = lax.fori_loop(0, NB // 4, col_block, jnp.zeros((B, B), jnp.float32))
        tie = jnp.logical_and(sa == sac, ib < ia).astype(jnp.float32)
        rank = jnp.sum(acc + tie, axis=1, keepdims=True)
        rrow = lax.dot_general(rank, ident, (((0,), (0,)), ((), ())),
                               preferred_element_type=jnp.float32, precision=_HI)
        rank_ref[:, pl.ds(a * B, B)] = rrow.astype(jnp.int32)
        return 0

    lax.fori_loop(0, NB, row_block, 0)


def _rank_call(sp):
    return pl.pallas_call(
        _rank_body,
        out_shape=jax.ShapeDtypeStruct((1, NP), jnp.int32),
    )(sp.reshape(1, NP))


def _permute_body(rank_hbm, x1_hbm, y1_hbm, x2_hbm, y2_hbm,
                  order_hbm, sx1_hbm, sy1_hbm, sx2_hbm, sy2_hbm,
                  rank_v, x1_v, y1_v, x2_v, y2_v, order_v,
                  ox1_v, oy1_v, ox2_v, oy2_v):
    wid = lax.axis_index("s") * 2 + lax.axis_index("c")
    pltpu.sync_copy(rank_hbm, rank_v)
    pltpu.sync_copy(x1_hbm, x1_v)
    pltpu.sync_copy(y1_hbm, y1_v)
    pltpu.sync_copy(x2_hbm, x2_v)
    pltpu.sync_copy(y2_hbm, y2_v)
    lane = lax.iota(jnp.int32, 16)

    def scatter_step(q, _):
        for u in range(4):
            i = q * 4 + u
            idx = rank_v[pl.ds(i * 16, 16)]
            plsc.store_scatter(order_v, [idx], i * 16 + lane)
        return 0

    lax.fori_loop(0, NP // 64, scatter_step, 0)

    per = NP // 32
    base = wid * per

    def gather_step(i, _):
        sidx = order_v[pl.ds(base + i * 16, 16)]
        ox1_v[pl.ds(i * 16, 16)] = plsc.load_gather(x1_v, [sidx])
        oy1_v[pl.ds(i * 16, 16)] = plsc.load_gather(y1_v, [sidx])
        ox2_v[pl.ds(i * 16, 16)] = plsc.load_gather(x2_v, [sidx])
        oy2_v[pl.ds(i * 16, 16)] = plsc.load_gather(y2_v, [sidx])
        return 0

    lax.fori_loop(0, per // 16, gather_step, 0)
    pltpu.sync_copy(order_v.at[pl.ds(base, per)], order_hbm.at[pl.ds(base, per)])
    pltpu.sync_copy(ox1_v, sx1_hbm.at[pl.ds(base, per)])
    pltpu.sync_copy(oy1_v, sy1_hbm.at[pl.ds(base, per)])
    pltpu.sync_copy(ox2_v, sx2_hbm.at[pl.ds(base, per)])
    pltpu.sync_copy(oy2_v, sy2_hbm.at[pl.ds(base, per)])


def _permute_call(rank, x1, y1, x2, y2):
    per = NP // 32
    f32 = jnp.float32
    return pl.kernel(
        _permute_body,
        out_type=(
            jax.ShapeDtypeStruct((NP,), jnp.int32),
            jax.ShapeDtypeStruct((NP,), f32),
            jax.ShapeDtypeStruct((NP,), f32),
            jax.ShapeDtypeStruct((NP,), f32),
            jax.ShapeDtypeStruct((NP,), f32),
        ),
        mesh=plsc.VectorSubcoreMesh(core_axis_name="c", subcore_axis_name="s"),
        compiler_params=_SC_PARAMS,
        scratch_types=[
            pltpu.VMEM((NP,), jnp.int32),
            pltpu.VMEM((NP,), f32), pltpu.VMEM((NP,), f32),
            pltpu.VMEM((NP,), f32), pltpu.VMEM((NP,), f32),
            pltpu.VMEM((NP,), jnp.int32),
            pltpu.VMEM((per,), f32), pltpu.VMEM((per,), f32),
            pltpu.VMEM((per,), f32), pltpu.VMEM((per,), f32),
        ],
    )(rank, x1, y1, x2, y2)


def _tcol(ident, xrow):
    return lax.dot_general(ident, xrow, (((1,), (1,)), ((), ())),
                           preferred_element_type=jnp.float32, precision=_HI)


def _pair_overlap(x1c, y1c, x2c, y2c, ac, x1r, y1r, x2r, y2r, ar):
    ix1 = jnp.maximum(x1c, x1r)
    iy1 = jnp.maximum(y1c, y1r)
    ix2 = jnp.minimum(x2c, x2r)
    iy2 = jnp.minimum(y2c, y2r)
    inter = jnp.maximum(0.0, ix2 - ix1) * jnp.maximum(0.0, iy2 - iy1)
    union = ac + ar - inter
    iou = inter / (union + 1e-9)
    return (iou > IOU_THRESH).astype(jnp.float32)


CH = 1024
NCH = NP // CH


def _nms_body(xr1_ref, yr1_ref, xr2_ref, yr2_ref, keep_ref, s_ref):
    s_ref[...] = jnp.zeros((1, NP), jnp.float32)
    ia = lax.broadcasted_iota(jnp.int32, (B, B), 0)
    ib = lax.broadcasted_iota(jnp.int32, (B, B), 1)
    ident = (ia == ib).astype(jnp.float32)
    uptri = (ia < ib).astype(jnp.float32)
    lane = lax.broadcasted_iota(jnp.int32, (1, B), 1)
    lane_ch = lax.broadcasted_iota(jnp.int32, (1, CH), 1)

    def block(k, _):
        x1r = xr1_ref[:, pl.ds(k * B, B)]
        y1r = yr1_ref[:, pl.ds(k * B, B)]
        x2r = xr2_ref[:, pl.ds(k * B, B)]
        y2r = yr2_ref[:, pl.ds(k * B, B)]
        x1c = _tcol(ident, x1r)
        y1c = _tcol(ident, y1r)
        x2c = _tcol(ident, x2r)
        y2c = _tcol(ident, y2r)
        ar = (x2r - x1r) * (y2r - y1r)
        ac = (x2c - x1c) * (y2c - y1c)

        base = _pair_overlap(x1c, y1c, x2c, y2c, ac, x1r, y1r, x2r, y2r, ar)
        okk = base * uptri
        okt = base * (ia > ib).astype(jnp.float32)

        pad = (k * B + lane >= N).astype(jnp.float32)
        s0 = jnp.maximum(s_ref[:, pl.ds(k * B, B)], pad)
        s0c = _tcol(ident, s0)

        def cond(state):
            srow, _, krow, _ = state
            return jnp.sum((1.0 - srow) * (1.0 - krow)) > 0.0

        def body(state):
            srow, scol, krow, kcol = state
            supp_r = jnp.max(okk * kcol, axis=0, keepdims=True)
            supp_c = jnp.max(okt * krow, axis=1, keepdims=True)
            srow2 = jnp.maximum(srow, supp_r)
            scol2 = jnp.maximum(scol, supp_c)
            blk_r = jnp.max(okk * (1.0 - scol), axis=0, keepdims=True)
            blk_c = jnp.max(okt * (1.0 - srow), axis=1, keepdims=True)
            krow2 = jnp.maximum(krow, (1.0 - srow2) * (1.0 - blk_r))
            kcol2 = jnp.maximum(kcol, (1.0 - scol2) * (1.0 - blk_c))
            return srow2, scol2, krow2, kcol2

        srow, scol, krow, kcol = lax.while_loop(
            cond, body,
            (s0, s0c, jnp.zeros((1, B), jnp.float32), jnp.zeros((B, 1), jnp.float32)))
        keep_ref[:, pl.ds(k * B, B)] = krow.astype(jnp.int32)

        def push(c, _):
            px1 = xr1_ref[:, pl.ds(c * CH, CH)]
            py1 = yr1_ref[:, pl.ds(c * CH, CH)]
            px2 = xr2_ref[:, pl.ds(c * CH, CH)]
            py2 = yr2_ref[:, pl.ds(c * CH, CH)]
            pa = (px2 - px1) * (py2 - py1)
            okp = _pair_overlap(x1c, y1c, x2c, y2c, ac, px1, py1, px2, py2, pa)
            supp_p = jnp.max(okp * kcol, axis=0, keepdims=True)
            m = (c * CH + lane_ch >= (k + 1) * B).astype(jnp.float32)
            s_ref[:, pl.ds(c * CH, CH)] = jnp.maximum(
                s_ref[:, pl.ds(c * CH, CH)], supp_p * m)
            return 0

        lax.fori_loop((k + 1) * B // CH, NCH, push, 0)
        return 0

    lax.fori_loop(0, NB, block, 0)


def _nms_call(sx1, sy1, sx2, sy2):
    r = lambda a: a.reshape(1, NP)
    return pl.pallas_call(
        _nms_body,
        out_shape=jax.ShapeDtypeStruct((1, NP), jnp.int32),
        scratch_shapes=[pltpu.VMEM((1, NP), jnp.float32)],
    )(r(sx1), r(sy1), r(sx2), r(sy2))


RPT = MP // 16


def _compact_body(keep_hbm, order_hbm, x1_hbm, y1_hbm, x2_hbm, y2_hbm, feat_hbm,
                  vm_hbm, rx1_hbm, ry1_hbm, rx2_hbm, ry2_hbm, gf_hbm,
                  keep_v, order_v, x1_v, y1_v, x2_v, y2_v,
                  pos_v, sel_v, vm_v, rx1_v, ry1_v, rx2_v, ry2_v,
                  sel_sh, sel_t, rows_v, sem):
    cid = lax.axis_index("c")
    sid = lax.axis_index("s")
    lane = lax.iota(jnp.int32, 16)

    @pl.when(cid == 0)
    def _():
        @pl.when(sid == 0)
        def _():
            pltpu.sync_copy(keep_hbm, keep_v)
            pltpu.sync_copy(order_hbm, order_v)
            pltpu.sync_copy(x1_hbm, x1_v)
            pltpu.sync_copy(y1_hbm, y1_v)
            pltpu.sync_copy(x2_hbm, x2_v)
            pltpu.sync_copy(y2_hbm, y2_v)

            def zero_step(i, _):
                pos_v[pl.ds(i * 16, 16)] = jnp.zeros((16,), jnp.int32)
                return 0

            lax.fori_loop(0, MP // 16, zero_step, 0)

            def scan_step(q, carry):
                for u in range(4):
                    i = q * 4 + u
                    k16 = keep_v[pl.ds(i * 16, 16)]
                    csum = plsc.cumsum(k16) + carry
                    m = jnp.logical_and(k16 > 0, csum <= MAX_OUT)
                    plsc.store_scatter(pos_v, [csum - 1], i * 16 + lane, mask=m)
                    carry = carry + jnp.sum(k16)
                return carry

            total = lax.fori_loop(0, NP // 64, scan_step, jnp.int32(0))

            def out_step(i, _):
                p16 = pos_v[pl.ds(i * 16, 16)]
                s16 = plsc.load_gather(order_v, [p16])
                sel_v[pl.ds(i * 16, 16)] = s16
                vmf = jnp.where(i * 16 + lane < total, 1.0, 0.0).astype(jnp.float32)
                vm_v[pl.ds(i * 16, 16)] = vmf
                rx1_v[pl.ds(i * 16, 16)] = plsc.load_gather(x1_v, [s16]) * vmf
                ry1_v[pl.ds(i * 16, 16)] = plsc.load_gather(y1_v, [s16]) * vmf
                rx2_v[pl.ds(i * 16, 16)] = plsc.load_gather(x2_v, [s16]) * vmf
                ry2_v[pl.ds(i * 16, 16)] = plsc.load_gather(y2_v, [s16]) * vmf
                return 0

            lax.fori_loop(0, MP // 16, out_step, 0)
            pltpu.sync_copy(vm_v, vm_hbm)
            pltpu.sync_copy(rx1_v, rx1_hbm)
            pltpu.sync_copy(ry1_v, ry1_hbm)
            pltpu.sync_copy(rx2_v, rx2_hbm)
            pltpu.sync_copy(ry2_v, ry2_hbm)
            pltpu.sync_copy(sel_v, sel_sh)

        plsc.subcore_barrier()
        pltpu.sync_copy(sel_sh.at[pl.ds(sid * RPT, RPT)], sel_t)
        pltpu.async_copy(feat_hbm.at[sel_t], rows_v, sem).wait()
        pltpu.sync_copy(rows_v, gf_hbm.at[pl.ds(sid * RPT, RPT)])


def _compact_call(keep, order, x1, y1, x2, y2, features):
    f32 = jnp.float32
    i32 = jnp.int32
    return pl.kernel(
        _compact_body,
        out_type=(
            jax.ShapeDtypeStruct((MP,), f32),
            jax.ShapeDtypeStruct((MP,), f32),
            jax.ShapeDtypeStruct((MP,), f32),
            jax.ShapeDtypeStruct((MP,), f32),
            jax.ShapeDtypeStruct((MP,), f32),
            jax.ShapeDtypeStruct((MP, D), f32),
        ),
        mesh=plsc.VectorSubcoreMesh(core_axis_name="c", subcore_axis_name="s"),
        compiler_params=_SC_PARAMS,
        scratch_types=[
            pltpu.VMEM((NP,), i32), pltpu.VMEM((NP,), i32),
            pltpu.VMEM((NP,), f32), pltpu.VMEM((NP,), f32),
            pltpu.VMEM((NP,), f32), pltpu.VMEM((NP,), f32),
            pltpu.VMEM((MP,), i32), pltpu.VMEM((MP,), i32),
            pltpu.VMEM((MP,), f32), pltpu.VMEM((MP,), f32),
            pltpu.VMEM((MP,), f32), pltpu.VMEM((MP,), f32),
            pltpu.VMEM((MP,), f32),
            pltpu.VMEM_SHARED((MP,), i32),
            pltpu.VMEM((RPT,), i32),
            pltpu.VMEM((RPT, D), f32),
            pltpu.SemaphoreType.DMA,
        ],
    )(keep, order, x1, y1, x2, y2, features)


def _head_body(gf_ref, vm_ref, w1_ref, b1_ref, wcr_ref, bcr_ref,
               cls_ref, lin_ref):
    x = gf_ref[...] * vm_ref[...]
    hi = jax.lax.Precision.DEFAULT
    h = jnp.maximum(
        lax.dot_general(x, w1_ref[...], (((1,), (0,)), ((), ())),
                        preferred_element_type=jnp.float32, precision=hi)
        + b1_ref[...], 0.0)
    l = lax.dot_general(h, wcr_ref[...], (((1,), (0,)), ((), ())),
                        preferred_element_type=jnp.float32, precision=hi) + bcr_ref[...]
    lane = lax.broadcasted_iota(jnp.int32, (MP, 128), 1)
    z = jnp.where(lane < NUM_CLASSES, l, -jnp.inf)
    zmax = jnp.max(z, axis=-1, keepdims=True)
    e = jnp.exp(z - zmax)
    cls_ref[...] = e / jnp.sum(e, axis=-1, keepdims=True)
    lin_ref[...] = l


def _head_call(gf, vm, W1, b1, Wcr, bcr):
    return pl.pallas_call(
        _head_body,
        out_shape=(
            jax.ShapeDtypeStruct((MP, 128), jnp.float32),
            jax.ShapeDtypeStruct((MP, 128), jnp.float32),
        ),
    )(gf, vm, W1, b1, Wcr, bcr)


def kernel(boxes, scores, features, W1, b1, Wc, bc, Wr, br):
    f32 = jnp.float32
    pad1 = lambda a, v: jnp.pad(a, (0, NP - N), constant_values=v)
    sp = pad1(scores.astype(f32), -1.0)
    x1 = pad1(boxes[:, 0], 0.0)
    y1 = pad1(boxes[:, 1], 0.0)
    x2 = pad1(boxes[:, 2], 0.0)
    y2 = pad1(boxes[:, 3], 0.0)

    rank = _rank_call(sp)
    order, sx1, sy1, sx2, sy2 = _permute_call(rank.reshape(NP), x1, y1, x2, y2)
    keep = _nms_call(sx1, sy1, sx2, sy2)
    vm, rx1, ry1, rx2, ry2, gf = _compact_call(
        keep.reshape(NP), order, x1, y1, x2, y2, features)

    Wcr = jnp.pad(jnp.concatenate([Wc, Wr], axis=1), ((0, 0), (0, 128 - NUM_CLASSES - 4)))
    bcr = jnp.pad(jnp.concatenate([bc, br]), (0, 128 - NUM_CLASSES - 4)).reshape(1, 128)
    cls, lin = _head_call(gf, vm.reshape(MP, 1), W1, b1.reshape(1, D), Wcr, bcr)

    class_scores = cls[:MAX_OUT, :NUM_CLASSES]
    bbox_deltas = lin[:MAX_OUT, NUM_CLASSES:NUM_CLASSES + 4]
    rois = jnp.stack([rx1[:MAX_OUT], ry1[:MAX_OUT], rx2[:MAX_OUT], ry2[:MAX_OUT]], axis=1)
    return class_scores, bbox_deltas, rois

# --- scband reference (transcript-rebuilt; emitter-appended) ---
"""Pipeline reference for scband-faster-rcnn-36567351558371 (READ-ONLY COPY).

The authoritative reference and input builder live on the scoring server;
editing this copy changes nothing except your own understanding.
"""

import jax, jax.numpy as jnp
import numpy as np

N = 5000
D = 1024
NUM_CLASSES = 81
MAX_OUT = 300
IOU_THRESH = 0.7


def setup_inputs(seed: int = 0) -> dict:
    key = jax.random.key(seed)
    ks = jax.random.split(key, 8)
    # well-formed boxes: x1 < x2, y1 < y2 inside a 512x512 image
    cxcy = jax.random.uniform(ks[0], (N, 2), minval=0.0, maxval=512.0)
    wh = jax.random.uniform(ks[1], (N, 2), minval=16.0, maxval=128.0)
    boxes = jnp.concatenate([cxcy - 0.5 * wh, cxcy + 0.5 * wh], axis=1).astype(jnp.float32)
    scores = jax.random.uniform(ks[2], (N,), dtype=jnp.float32)
    features = (jax.random.normal(ks[3], (N, D)) * 0.1).astype(jnp.float32)
    # classifier head parameters (fc1 -> cls_head softmax / reg_head linear)
    W1 = (jax.random.normal(ks[4], (D, 1024)) / np.sqrt(D)).astype(jnp.float32)
    b1 = jnp.zeros((1024,), jnp.float32)
    Wc = (jax.random.normal(ks[5], (1024, NUM_CLASSES)) / np.sqrt(1024.0)).astype(jnp.float32)
    bc = jnp.zeros((NUM_CLASSES,), jnp.float32)
    Wr = (jax.random.normal(ks[6], (1024, 4)) / np.sqrt(1024.0)).astype(jnp.float32)
    br = jnp.zeros((4,), jnp.float32)
    return {"boxes": boxes, "scores": scores, "features": features,
            "W1": W1, "b1": b1, "Wc": Wc, "bc": bc, "Wr": Wr, "br": br}


def _iou_matrix(b):
    x1 = jnp.maximum(b[:, None, 0], b[None, :, 0])
    y1 = jnp.maximum(b[:, None, 1], b[None, :, 1])
    x2 = jnp.minimum(b[:, None, 2], b[None, :, 2])
    y2 = jnp.minimum(b[:, None, 3], b[None, :, 3])
    inter = jnp.maximum(0.0, x2 - x1) * jnp.maximum(0.0, y2 - y1)
    area = (b[:, 2] - b[:, 0]) * (b[:, 3] - b[:, 1])
    union = area[:, None] + area[None, :] - inter
    return inter / (union + 1e-9)


def _nms_select(boxes, scores):
    # greedy NMS exactly as Classifier.non_max_suppression: sort by score desc,
    # repeatedly keep best and suppress others with IoU > threshold
    order = jnp.argsort(-scores)
    b = boxes[order]
    iou = _iou_matrix(b)
    n = b.shape[0]
    idxs = jnp.arange(n)

    def body(i, suppressed):
        row = (iou[i] > IOU_THRESH) & (idxs > i) & jnp.logical_not(suppressed[i])
        return suppressed | row

    suppressed = jax.lax.fori_loop(0, n, body, jnp.zeros((n,), bool))
    keep = jnp.logical_not(suppressed)
    pos = jnp.nonzero(keep, size=MAX_OUT, fill_value=0)[0]
    valid = jnp.arange(MAX_OUT) < jnp.sum(keep)
    sel = order[pos]
    return sel, valid


def reference(boxes, scores, features, W1, b1, Wc, bc, Wr, br):
    sel, valid = _nms_select(jax.lax.stop_gradient(boxes), jax.lax.stop_gradient(scores))
    vm = valid.astype(boxes.dtype)[:, None]
    rois = boxes[sel] * vm                 # generate_rois: selected boxes
    roi_feats = features[sel] * vm         # roi_pooling + flatten (per-ROI pooled feature)
    fc1 = jax.nn.relu(roi_feats @ W1 + b1)  # Dense(1024, relu)
    class_scores = jax.nn.softmax(fc1 @ Wc + bc, axis=-1)  # cls_head softmax
    bbox_deltas = fc1 @ Wr + br             # reg_head linear
    return class_scores, bbox_deltas, rois

if __name__ == "__main__":
    import jax
    _d = setup_inputs()
    print(jax.jit(kernel)(*tuple(_d.values())))

</pallas_src>

<mosaic_0001>
#map = affine_map<(d0, d1) -> (0)>
module attributes {stable_mosaic.version = 14 : i64} {
  func.func @_permute_body(%arg0: i32, %arg1: i32, %arg2: memref<5120xi32, #tpu.memory_space<hbm>>, %arg3: memref<5120xf32, #tpu.memory_space<hbm>>, %arg4: memref<5120xf32, #tpu.memory_space<hbm>>, %arg5: memref<5120xf32, #tpu.memory_space<hbm>>, %arg6: memref<5120xf32, #tpu.memory_space<hbm>>, %arg7: memref<5120xi32, #tpu.memory_space<hbm>>, %arg8: memref<5120xf32, #tpu.memory_space<hbm>>, %arg9: memref<5120xf32, #tpu.memory_space<hbm>>, %arg10: memref<5120xf32, #tpu.memory_space<hbm>>, %arg11: memref<5120xf32, #tpu.memory_space<hbm>>, %arg12: memref<5120xi32, #tpu.memory_space<vmem>>, %arg13: memref<5120xf32, #tpu.memory_space<vmem>>, %arg14: memref<5120xf32, #tpu.memory_space<vmem>>, %arg15: memref<5120xf32, #tpu.memory_space<vmem>>, %arg16: memref<5120xf32, #tpu.memory_space<vmem>>, %arg17: memref<5120xi32, #tpu.memory_space<vmem>>, %arg18: memref<160xf32, #tpu.memory_space<vmem>>, %arg19: memref<160xf32, #tpu.memory_space<vmem>>, %arg20: memref<160xf32, #tpu.memory_space<vmem>>, %arg21: memref<160xf32, #tpu.memory_space<vmem>>) attributes {dimension_semantics = [#tpu.dimension_semantics<core_parallel>, #tpu.dimension_semantics<subcore_parallel>], iteration_bounds = array<i64: 2, 16>, scalar_prefetch = 0 : i64, scratch_operands = 10 : i64, tpu.core_type = #tpu.core_type<sc_vector_subcore>, window_params = [{transform_indices = #map}, {transform_indices = #map}, {transform_indices = #map}, {transform_indices = #map}, {transform_indices = #map}, {transform_indices = #map}, {transform_indices = #map}, {transform_indices = #map}, {transform_indices = #map}, {transform_indices = #map}]} {
    %mul3A = arith.constant 2 : i32
    %mul3A_0 = arith.muli %arg1, %mul3A : i32
    %add3A = arith.addi %mul3A_0, %arg0 : i32
    "tpu.region"() ({
      %run_scoped3A = tpu.sem_alloc : memref<!tpu.dma_semaphore, #tpu.memory_space<semaphore_mem>>
      tpu.enqueue_dma source(%arg2 : memref<5120xi32, #tpu.memory_space<hbm>>) target(%arg12 : memref<5120xi32, #tpu.memory_space<vmem>>) target_semaphore(%run_scoped3A : memref<!tpu.dma_semaphore, #tpu.memory_space<semaphore_mem>>)
      tpu.wait_dma2 semaphore(%run_scoped3A : memref<!tpu.dma_semaphore, #tpu.memory_space<semaphore_mem>>) src(%arg2 : memref<5120xi32, #tpu.memory_space<hbm>>) dst(%arg12 : memref<5120xi32, #tpu.memory_space<vmem>>)
      tpu.yield
    }) : () -> ()
    "tpu.region"() ({
      %run_scoped3A = tpu.sem_alloc : memref<!tpu.dma_semaphore, #tpu.memory_space<semaphore_mem>>
      tpu.enqueue_dma source(%arg3 : memref<5120xf32, #tpu.memory_space<hbm>>) target(%arg13 : memref<5120xf32, #tpu.memory_space<vmem>>) target_semaphore(%run_scoped3A : memref<!tpu.dma_semaphore, #tpu.memory_space<semaphore_mem>>)
      tpu.wait_dma2 semaphore(%run_scoped3A : memref<!tpu.dma_semaphore, #tpu.memory_space<semaphore_mem>>) src(%arg3 : memref<5120xf32, #tpu.memory_space<hbm>>) dst(%arg13 : memref<5120xf32, #tpu.memory_space<vmem>>)
      tpu.yield
    }) : () -> ()
    "tpu.region"() ({
      %run_scoped3A = tpu.sem_alloc : memref<!tpu.dma_semaphore, #tpu.memory_space<semaphore_mem>>
      tpu.enqueue_dma source(%arg4 : memref<5120xf32, #tpu.memory_space<hbm>>) target(%arg14 : memref<5120xf32, #tpu.memory_space<vmem>>) target_semaphore(%run_scoped3A : memref<!tpu.dma_semaphore, #tpu.memory_space<semaphore_mem>>)
      tpu.wait_dma2 semaphore(%run_scoped3A : memref<!tpu.dma_semaphore, #tpu.memory_space<semaphore_mem>>) src(%arg4 : memref<5120xf32, #tpu.memory_space<hbm>>) dst(%arg14 : memref<5120xf32, #tpu.memory_space<vmem>>)
      tpu.yield
    }) : () -> ()
    "tpu.region"() ({
      %run_scoped3A = tpu.sem_alloc : memref<!tpu.dma_semaphore, #tpu.memory_space<semaphore_mem>>
      tpu.enqueue_dma source(%arg5 : memref<5120xf32, #tpu.memory_space<hbm>>) target(%arg15 : memref<5120xf32, #tpu.memory_space<vmem>>) target_semaphore(%run_scoped3A : memref<!tpu.dma_semaphore, #tpu.memory_space<semaphore_mem>>)
      tpu.wait_dma2 semaphore(%run_scoped3A : memref<!tpu.dma_semaphore, #tpu.memory_space<semaphore_mem>>) src(%arg5 : memref<5120xf32, #tpu.memory_space<hbm>>) dst(%arg15 : memref<5120xf32, #tpu.memory_space<vmem>>)
      tpu.yield
    }) : () -> ()
    "tpu.region"() ({
      %run_scoped3A = tpu.sem_alloc : memref<!tpu.dma_semaphore, #tpu.memory_space<semaphore_mem>>
      tpu.enqueue_dma source(%arg6 : memref<5120xf32, #tpu.memory_space<hbm>>) target(%arg16 : memref<5120xf32, #tpu.memory_space<vmem>>) target_semaphore(%run_scoped3A : memref<!tpu.dma_semaphore, #tpu.memory_space<semaphore_mem>>)
      tpu.wait_dma2 semaphore(%run_scoped3A : memref<!tpu.dma_semaphore, #tpu.memory_space<semaphore_mem>>) src(%arg6 : memref<5120xf32, #tpu.memory_space<hbm>>) dst(%arg16 : memref<5120xf32, #tpu.memory_space<vmem>>)
      tpu.yield
    }) : () -> ()
    %iota3A = tpu.iota {dimensions = array<i32: 0>} : vector<16xi32>
    %scan3A = arith.constant 0 : i32
    %scan3A_1 = arith.constant 0 : i32
    %scan3A_2 = arith.constant 80 : i32
    %scan3A_3 = arith.addi %scan3A_1, %scan3A_2 : i32
    %scan3A_4 = arith.constant 1 : i32
    %scan3A_5 = scf.for %scan3A_16 = %scan3A_1 to %scan3A_3 step %scan3A_4 iter_args(%scan3A_17 = %scan3A) -> (i32)  : i32 {
      %mul3A_18 = arith.constant 4 : i32
      %mul3A_19 = arith.muli %scan3A_16, %mul3A_18 : i32
      %add3A_20 = arith.constant 0 : i32
      %add3A_21 = arith.addi %mul3A_19, %add3A_20 : i32
      %mul3A_22 = arith.constant 16 : i32
      %mul3A_23 = arith.muli %add3A_21, %mul3A_22 : i32
      %get3A = arith.index_cast %mul3A_23 : i32 to index
      %get3A_24 = tpu.vector_load %arg12[%get3A] {strides = array<i32>} : memref<5120xi32, #tpu.memory_space<vmem>>, vector<16xi32>,
      %mul3A_25 = arith.constant 16 : i32
      %mul3A_26 = arith.muli %add3A_21, %mul3A_25 : i32
      %add3A_27 = vector.broadcast %mul3A_26 : i32 to vector<16xi32>
      %add3A_28 = arith.addi %add3A_27, %iota3A : vector<16xi32>
      tpu.vector_store_idx %arg17[%get3A_24], %add3A_28 : memref<5120xi32, #tpu.memory_space<vmem>>[vector<16xi32>], vector<16xi32>,
      %mul3A_29 = arith.constant 4 : i32
      %mul3A_30 = arith.muli %scan3A_16, %mul3A_29 : i32
      %add3A_31 = arith.constant 1 : i32
      %add3A_32 = arith.addi %mul3A_30, %add3A_31 : i32
      %mul3A_33 = arith.constant 16 : i32
      %mul3A_34 = arith.muli %add3A_32, %mul3A_33 : i32
      %get3A_35 = arith.index_cast %mul3A_34 : i32 to index
      %get3A_36 = tpu.vector_load %arg12[%get3A_35] {strides = array<i32>} : memref<5120xi32, #tpu.memory_space<vmem>>, vector<16xi32>,
      %mul3A_37 = arith.constant 16 : i32
      %mul3A_38 = arith.muli %add3A_32, %mul3A_37 : i32
      %add3A_39 = vector.broadcast %mul3A_38 : i32 to vector<16xi32>
      %add3A_40 = arith.addi %add3A_39, %iota3A : vector<16xi32>
      tpu.vector_store_idx %arg17[%get3A_36], %add3A_40 : memref<5120xi32, #tpu.memory_space<vmem>>[vector<16xi32>], vector<16xi32>,
      %mul3A_41 = arith.constant 4 : i32
      %mul3A_42 = arith.muli %scan3A_16, %mul3A_41 : i32
      %add3A_43 = arith.constant 2 : i32
      %add3A_44 = arith.addi %mul3A_42, %add3A_43 : i32
      %mul3A_45 = arith.constant 16 : i32
      %mul3A_46 = arith.muli %add3A_44, %mul3A_45 : i32
      %get3A_47 = arith.index_cast %mul3A_46 : i32 to index
      %get3A_48 = tpu.vector_load %arg12[%get3A_47] {strides = array<i32>} : memref<5120xi32, #tpu.memory_space<vmem>>, vector<16xi32>,
      %mul3A_49 = arith.constant 16 : i32
      %mul3A_50 = arith.muli %add3A_44, %mul3A_49 : i32
      %add3A_51 = vector.broadcast %mul3A_50 : i32 to vector<16xi32>
      %add3A_52 = arith.addi %add3A_51, %iota3A : vector<16xi32>
      tpu.vector_store_idx %arg17[%get3A_48], %add3A_52 : memref<5120xi32, #tpu.memory_space<vmem>>[vector<16xi32>], vector<16xi32>,
      %mul3A_53 = arith.constant 4 : i32
      %mul3A_54 = arith.muli %scan3A_16, %mul3A_53 : i32
      %add3A_55 = arith.constant 3 : i32
      %add3A_56 = arith.addi %mul3A_54, %add3A_55 : i32
      %mul3A_57 = arith.constant 16 : i32
      %mul3A_58 = arith.muli %add3A_56, %mul3A_57 : i32
      %get3A_59 = arith.index_cast %mul3A_58 : i32 to index
      %get3A_60 = tpu.vector_load %arg12[%get3A_59] {strides = array<i32>} : memref<5120xi32, #tpu.memory_space<vmem>>, vector<16xi32>,
      %mul3A_61 = arith.constant 16 : i32
      %mul3A_62 = arith.muli %add3A_56, %mul3A_61 : i32
      %add3A_63 = vector.broadcast %mul3A_62 : i32 to vector<16xi32>
      %add3A_64 = arith.addi %add3A_63, %iota3A : vector<16xi32>
      tpu.vector_store_idx %arg17[%get3A_60], %add3A_64 : memref<5120xi32, #tpu.memory_space<vmem>>[vector<16xi32>], vector<16xi32>,
      %scan3A_65 = arith.constant 0 : i32
      scf.yield %scan3A_65 : i32
    }
    %scan3A_6 = arith.constant 80 : i32
    %mul3A_7 = arith.constant 160 : i32
    %mul3A_8 = arith.muli %add3A, %mul3A_7 : i32
    %scan3A_9 = arith.constant 0 : i32
    %scan3A_10 = arith.constant 0 : i32
    %scan3A_11 = arith.constant 10 : i32
    %scan3A_12 = arith.addi %scan3A_10, %scan3A_11 : i32
    %scan3A_13 = arith.constant 1 : i32
    %scan3A_14 = scf.for %scan3A_16 = %scan3A_10 to %scan3A_12 step %scan3A_13 iter_args(%scan3A_17 = %scan3A_9) -> (i32)  : i32 {
      %mul3A_18 = arith.constant 16 : i32
      %mul3A_19 = arith.muli %scan3A_16, %mul3A_18 : i32
      %add3A_20 = arith.addi %mul3A_8, %mul3A_19 : i32
      %get3A = arith.index_cast %add3A_20 : i32 to index
      %get3A_21 = tpu.vector_load %arg17[%get3A] {strides = array<i32>} : memref<5120xi32, #tpu.memory_space<vmem>>, vector<16xi32>,
      %gather3A = tpu.vector_load_idx %arg13[%get3A_21] : memref<5120xf32, #tpu.memory_space<vmem>>[vector<16xi32>], vector<16xf32>,
      %mul3A_22 = arith.constant 16 : i32
      %mul3A_23 = arith.muli %scan3A_16, %mul3A_22 : i32
      %swap3A = arith.index_cast %mul3A_23 : i32 to index
      %swap3A_24 = tpu.vector_load %arg18[%swap3A] {strides = array<i32>} : memref<160xf32, #tpu.memory_space<vmem>>, vector<16xf32>,
      tpu.vector_store %arg18[%swap3A], %gather3A {strides = array<i32>} : memref<160xf32, #tpu.memory_space<vmem>>, vector<16xf32>,
      %gather3A_25 = tpu.vector_load_idx %arg14[%get3A_21] : memref<5120xf32, #tpu.memory_space<vmem>>[vector<16xi32>], vector<16xf32>,
      %mul3A_26 = arith.constant 16 : i32
      %mul3A_27 = arith.muli %scan3A_16, %mul3A_26 : i32
      %swap3A_28 = arith.index_cast %mul3A_27 : i32 to index
      %swap3A_29 = tpu.vector_load %arg19[%swap3A_28] {strides = array<i32>} : memref<160xf32, #tpu.memory_space<vmem>>, vector<16xf32>,
      tpu.vector_store %arg19[%swap3A_28], %gather3A_25 {strides = array<i32>} : memref<160xf32, #tpu.memory_space<vmem>>, vector<16xf32>,
      %gather3A_30 = tpu.vector_load_idx %arg15[%get3A_21] : memref<5120xf32, #tpu.memory_space<vmem>>[vector<16xi32>], vector<16xf32>,
      %mul3A_31 = arith.constant 16 : i32
      %mul3A_32 = arith.muli %scan3A_16, %mul3A_31 : i32
      %swap3A_33 = arith.index_cast %mul3A_32 : i32 to index
      %swap3A_34 = tpu.vector_load %arg20[%swap3A_33] {strides = array<i32>} : memref<160xf32, #tpu.memory_space<vmem>>, vector<16xf32>,
      tpu.vector_store %arg20[%swap3A_33], %gather3A_30 {strides = array<i32>} : memref<160xf32, #tpu.memory_space<vmem>>, vector<16xf32>,
      %gather3A_35 = tpu.vector_load_idx %arg16[%get3A_21] : memref<5120xf32, #tpu.memory_space<vmem>>[vector<16xi32>], vector<16xf32>,
      %mul3A_36 = arith.constant 16 : i32
      %mul3A_37 = arith.muli %scan3A_16, %mul3A_36 : i32
      %swap3A_38 = arith.index_cast %mul3A_37 : i32 to index
      %swap3A_39 = tpu.vector_load %arg21[%swap3A_38] {strides = array<i32>} : memref<160xf32, #tpu.memory_space<vmem>>, vector<16xf32>,
      tpu.vector_store %arg21[%swap3A_38], %gather3A_35 {strides = array<i32>} : memref<160xf32, #tpu.memory_space<vmem>>, vector<16xf32>,
      %scan3A_40 = arith.constant 0 : i32
      scf.yield %scan3A_40 : i32
    }
    %scan3A_15 = arith.constant 10 : i32
    "tpu.region"() ({
      %run_scoped3A = tpu.sem_alloc : memref<!tpu.dma_semaphore, #tpu.memory_space<semaphore_mem>>
      %dma_start3A = tpu.memref_slice %arg17[%mul3A_8] : memref<5120xi32, #tpu.memory_space<vmem>> -> memref<160xi32, #tpu.memory_space<vmem>>
      %dma_start3A_16 = tpu.memref_slice %arg7[%mul3A_8] : memref<5120xi32, #tpu.memory_space<hbm>> -> memref<160xi32, #tpu.memory_space<hbm>>
      %dma_start3A_17 = tpu.memref_slice %arg7[%mul3A_8] : memref<5120xi32, #tpu.memory_space<hbm>> -> memref<160xi32, #tpu.memory_space<hbm>>
      %dma_start3A_18 = tpu.memref_slice %arg17[%mul3A_8] : memref<5120xi32, #tpu.memory_space<vmem>> -> memref<160xi32, #tpu.memory_space<vmem>>
      tpu.enqueue_dma source(%dma_start3A_18 : memref<160xi32, #tpu.memory_space<vmem>>) target(%dma_start3A_17 : memref<160xi32, #tpu.memory_space<hbm>>) target_semaphore(%run_scoped3A : memref<!tpu.dma_semaphore, #tpu.memory_space<semaphore_mem>>)
      %dma_wait3A = tpu.memref_slice %arg17[%mul3A_8] : memref<5120xi32, #tpu.memory_space<vmem>> -> memref<160xi32, #tpu.memory_space<vmem>>
      %dma_wait3A_19 = tpu.memref_slice %arg7[%mul3A_8] : memref<5120xi32, #tpu.memory_space<hbm>> -> memref<160xi32, #tpu.memory_space<hbm>>
      %dma_wait3A_20 = tpu.memref_slice %arg7[%mul3A_8] : memref<5120xi32, #tpu.memory_space<hbm>> -> memref<160xi32, #tpu.memory_space<hbm>>
      %dma_wait3A_21 = tpu.memref_slice %arg17[%mul3A_8] : memref<5120xi32, #tpu.memory_space<vmem>> -> memref<160xi32, #tpu.memory_space<vmem>>
      tpu.wait_dma2 semaphore(%run_scoped3A : memref<!tpu.dma_semaphore, #tpu.memory_space<semaphore_mem>>) src(%dma_wait3A_21 : memref<160xi32, #tpu.memory_space<vmem>>) dst(%dma_wait3A_20 : memref<160xi32, #tpu.memory_space<hbm>>)
      tpu.yield
    }) : () -> ()
    "tpu.region"() ({
      %run_scoped3A = tpu.sem_alloc : memref<!tpu.dma_semaphore, #tpu.memory_space<semaphore_mem>>
      %dma_start3A = tpu.memref_slice %arg8[%mul3A_8] : memref<5120xf32, #tpu.memory_space<hbm>> -> memref<160xf32, #tpu.memory_space<hbm>>
      %dma_start3A_16 = tpu.memref_slice %arg8[%mul3A_8] : memref<5120xf32, #tpu.memory_space<hbm>> -> memref<160xf32, #tpu.memory_space<hbm>>
      tpu.enqueue_dma source(%arg18 : memref<160xf32, #tpu.memory_space<vmem>>) target(%dma_start3A_16 : memref<160xf32, #tpu.memory_space<hbm>>) target_semaphore(%run_scoped3A : memref<!tpu.dma_semaphore, #tpu.memory_space<semaphore_mem>>)
      %dma_wait3A = tpu.memref_slice %arg8[%mul3A_8] : memref<5120xf32, #tpu.memory_space<hbm>> -> memref<160xf32, #tpu.memory_space<hbm>>
      %dma_wait3A_17 = tpu.memref_slice %arg8[%mul3A_8] : memref<5120xf32, #tpu.memory_space<hbm>> -> memref<160xf32, #tpu.memory_space<hbm>>
      tpu.wait_dma2 semaphore(%run_scoped3A : memref<!tpu.dma_semaphore, #tpu.memory_space<semaphore_mem>>) src(%arg18 : memref<160xf32, #tpu.memory_space<vmem>>) dst(%dma_wait3A_17 : memref<160xf32, #tpu.memory_space<hbm>>)
      tpu.yield
    }) : () -> ()
    "tpu.region"() ({
      %run_scoped3A = tpu.sem_alloc : memref<!tpu.dma_semaphore, #tpu.memory_space<semaphore_mem>>
      %dma_start3A = tpu.memref_slice %arg9[%mul3A_8] : memref<5120xf32, #tpu.memory_space<hbm>> -> memref<160xf32, #tpu.memory_space<hbm>>
      %dma_start3A_16 = tpu.memref_slice %arg9[%mul3A_8] : memref<5120xf32, #tpu.memory_space<hbm>> -> memref<160xf32, #tpu.memory_space<hbm>>
      tpu.enqueue_dma source(%arg19 : memref<160xf32, #tpu.memory_space<vmem>>) target(%dma_start3A_16 : memref<160xf32, #tpu.memory_space<hbm>>) target_semaphore(%run_scoped3A : memref<!tpu.dma_semaphore, #tpu.memory_space<semaphore_mem>>)
      %dma_wait3A = tpu.memref_slice %arg9[%mul3A_8] : memref<5120xf32, #tpu.memory_space<hbm>> -> memref<160xf32, #tpu.memory_space<hbm>>
      %dma_wait3A_17 = tpu.memref_slice %arg9[%mul3A_8] : memref<5120xf32, #tpu.memory_space<hbm>> -> memref<160xf32, #tpu.memory_space<hbm>>
      tpu.wait_dma2 semaphore(%run_scoped3A : memref<!tpu.dma_semaphore, #tpu.memory_space<semaphore_mem>>) src(%arg19 : memref<160xf32, #tpu.memory_space<vmem>>) dst(%dma_wait3A_17 : memref<160xf32, #tpu.memory_space<hbm>>)
      tpu.yield
    }) : () -> ()
    "tpu.region"() ({
      %run_scoped3A = tpu.sem_alloc : memref<!tpu.dma_semaphore, #tpu.memory_space<semaphore_mem>>
      %dma_start3A = tpu.memref_slice %arg10[%mul3A_8] : memref<5120xf32, #tpu.memory_space<hbm>> -> memref<160xf32, #tpu.memory_space<hbm>>
      %dma_start3A_16 = tpu.memref_slice %arg10[%mul3A_8] : memref<5120xf32, #tpu.memory_space<hbm>> -> memref<160xf32, #tpu.memory_space<hbm>>
      tpu.enqueue_dma source(%arg20 : memref<160xf32, #tpu.memory_space<vmem>>) target(%dma_start3A_16 : memref<160xf32, #tpu.memory_space<hbm>>) target_semaphore(%run_scoped3A : memref<!tpu.dma_semaphore, #tpu.memory_space<semaphore_mem>>)
      %dma_wait3A = tpu.memref_slice %arg10[%mul3A_8] : memref<5120xf32, #tpu.memory_space<hbm>> -> memref<160xf32, #tpu.memory_space<hbm>>
      %dma_wait3A_17 = tpu.memref_slice %arg10[%mul3A_8] : memref<5120xf32, #tpu.memory_space<hbm>> -> memref<160xf32, #tpu.memory_space<hbm>>
      tpu.wait_dma2 semaphore(%run_scoped3A : memref<!tpu.dma_semaphore, #tpu.memory_space<semaphore_mem>>) src(%arg20 : memref<160xf32, #tpu.memory_space<vmem>>) dst(%dma_wait3A_17 : memref<160xf32, #tpu.memory_space<hbm>>)
      tpu.yield
    }) : () -> ()
    "tpu.region"() ({
      %run_scoped3A = tpu.sem_alloc : memref<!tpu.dma_semaphore, #tpu.memory_space<semaphore_mem>>
      %dma_start3A = tpu.memref_slice %arg11[%mul3A_8] : memref<5120xf32, #tpu.memory_space<hbm>> -> memref<160xf32, #tpu.memory_space<hbm>>
      %dma_start3A_16 = tpu.memref_slice %arg11[%mul3A_8] : memref<5120xf32, #tpu.memory_space<hbm>> -> memref<160xf32, #tpu.memory_space<hbm>>
      tpu.enqueue_dma source(%arg21 : memref<160xf32, #tpu.memory_space<vmem>>) target(%dma_start3A_16 : memref<160xf32, #tpu.memory_space<hbm>>) target_semaphore(%run_scoped3A : memref<!tpu.dma_semaphore, #tpu.memory_space<semaphore_mem>>)
      %dma_wait3A = tpu.memref_slice %arg11[%mul3A_8] : memref<5120xf32, #tpu.memory_space<hbm>> -> memref<160xf32, #tpu.memory_space<hbm>>
      %dma_wait3A_17 = tpu.memref_slice %arg11[%mul3A_8] : memref<5120xf32, #tpu.memory_space<hbm>> -> memref<160xf32, #tpu.memory_space<hbm>>
      tpu.wait_dma2 semaphore(%run_scoped3A : memref<!tpu.dma_semaphore, #tpu.memory_space<semaphore_mem>>) src(%arg21 : memref<160xf32, #tpu.memory_space<vmem>>) dst(%dma_wait3A_17 : memref<160xf32, #tpu.memory_space<hbm>>)
      tpu.yield
    }) : () -> ()
    return
  }
}

#map = affine_map<(d0, d1) -> (0)>
#map1 = affine_map<(d0, d1) -> (0, 0)>
module attributes {stable_mosaic.version = 14 : i64} {
  func.func @_compact_body(%arg0: i32, %arg1: i32, %arg2: memref<5120xi32, #tpu.memory_space<hbm>>, %arg3: memref<5120xi32, #tpu.memory_space<hbm>>, %arg4: memref<5120xf32, #tpu.memory_space<hbm>>, %arg5: memref<5120xf32, #tpu.memory_space<hbm>>, %arg6: memref<5120xf32, #tpu.memory_space<hbm>>, %arg7: memref<5120xf32, #tpu.memory_space<hbm>>, %arg8: memref<5000x1024xf32, #tpu.memory_space<hbm>>, %arg9: memref<384xf32, #tpu.memory_space<hbm>>, %arg10: memref<384xf32, #tpu.memory_space<hbm>>, %arg11: memref<384xf32, #tpu.memory_space<hbm>>, %arg12: memref<384xf32, #tpu.memory_space<hbm>>, %arg13: memref<384xf32, #tpu.memory_space<hbm>>, %arg14: memref<384x1024xf32, #tpu.memory_space<hbm>>, %arg15: memref<5120xi32, #tpu.memory_space<vmem>>, %arg16: memref<5120xi32, #tpu.memory_space<vmem>>, %arg17: memref<5120xf32, #tpu.memory_space<vmem>>, %arg18: memref<5120xf32, #tpu.memory_space<vmem>>, %arg19: memref<5120xf32, #tpu.memory_space<vmem>>, %arg20: memref<5120xf32, #tpu.memory_space<vmem>>, %arg21: memref<384xi32, #tpu.memory_space<vmem>>, %arg22: memref<384xi32, #tpu.memory_space<vmem>>, %arg23: memref<384xf32, #tpu.memory_space<vmem>>, %arg24: memref<384xf32, #tpu.memory_space<vmem>>, %arg25: memref<384xf32, #tpu.memory_space<vmem>>, %arg26: memref<384xf32, #tpu.memory_space<vmem>>, %arg27: memref<384xf32, #tpu.memory_space<vmem>>, %arg28: memref<384xi32, #tpu.memory_space<vmem_shared>>, %arg29: memref<24xi32, #tpu.memory_space<vmem>>, %arg30: memref<24x1024xf32, #tpu.memory_space<vmem>>, %arg31: memref<!tpu.dma_semaphore, #tpu.memory_space<semaphore_mem>>) attributes {dimension_semantics = [#tpu.dimension_semantics<core_parallel>, #tpu.dimension_semantics<subcore_parallel>], iteration_bounds = array<i64: 2, 16>, scalar_prefetch = 0 : i64, scratch_operands = 17 : i64, tpu.core_type = #tpu.core_type<sc_vector_subcore>, window_params = [{transform_indices = #map}, {transform_indices = #map}, {transform_indices = #map}, {transform_indices = #map}, {transform_indices = #map}, {transform_indices = #map}, {transform_indices = #map1}, {transform_indices = #map}, {transform_indices = #map}, {transform_indices = #map}, {transform_indices = #map}, {transform_indices = #map}, {transform_indices = #map1}]} {
    %iota3A = tpu.iota {dimensions = array<i32: 0>} : vector<16xi32>
    %eq3A = arith.constant 0 : i32
    %eq3A_0 = arith.cmpi eq, %arg0, %eq3A : i32
    %convert_element_type3A = arith.extui %eq3A_0 : i1 to i32
    %cond3A = arith.constant 0 : i32
    %cond3A_1 = arith.cmpi ne, %convert_element_type3A, %cond3A : i32
    scf.if %cond3A_1 {
      %eq3A_2 = arith.constant 0 : i32
      %eq3A_3 = arith.cmpi eq, %arg1, %eq3A_2 : i32
      %convert_element_type3A_4 = arith.extui %eq3A_3 : i1 to i32
      %cond3A_5 = arith.constant 0 : i32
      %cond3A_6 = arith.cmpi ne, %convert_element_type3A_4, %cond3A_5 : i32
      scf.if %cond3A_6 {
        "tpu.region"() ({
          %run_scoped3A = tpu.sem_alloc : memref<!tpu.dma_semaphore, #tpu.memory_space<semaphore_mem>>
          tpu.enqueue_dma source(%arg2 : memref<5120xi32, #tpu.memory_space<hbm>>) target(%arg15 : memref<5120xi32, #tpu.memory_space<vmem>>) target_semaphore(%run_scoped3A : memref<!tpu.dma_semaphore, #tpu.memory_space<semaphore_mem>>)
          tpu.wait_dma2 semaphore(%run_scoped3A : memref<!tpu.dma_semaphore, #tpu.memory_space<semaphore_mem>>) src(%arg2 : memref<5120xi32, #tpu.memory_space<hbm>>) dst(%arg15 : memref<5120xi32, #tpu.memory_space<vmem>>)
          tpu.yield
        }) : () -> ()
        "tpu.region"() ({
          %run_scoped3A = tpu.sem_alloc : memref<!tpu.dma_semaphore, #tpu.memory_space<semaphore_mem>>
          tpu.enqueue_dma source(%arg3 : memref<5120xi32, #tpu.memory_space<hbm>>) target(%arg16 : memref<5120xi32, #tpu.memory_space<vmem>>) target_semaphore(%run_scoped3A : memref<!tpu.dma_semaphore, #tpu.memory_space<semaphore_mem>>)
          tpu.wait_dma2 semaphore(%run_scoped3A : memref<!tpu.dma_semaphore, #tpu.memory_space<semaphore_mem>>) src(%arg3 : memref<5120xi32, #tpu.memory_space<hbm>>) dst(%arg16 : memref<5120xi32, #tpu.memory_space<vmem>>)
          tpu.yield
        }) : () -> ()
        "tpu.region"() ({
          %run_scoped3A = tpu.sem_alloc : memref<!tpu.dma_semaphore, #tpu.memory_space<semaphore_mem>>
          tpu.enqueue_dma source(%arg4 : memref<5120xf32, #tpu.memory_space<hbm>>) target(%arg17 : memref<5120xf32, #tpu.memory_space<vmem>>) target_semaphore(%run_scoped3A : memref<!tpu.dma_semaphore, #tpu.memory_space<semaphore_mem>>)
          tpu.wait_dma2 semaphore(%run_scoped3A : memref<!tpu.dma_semaphore, #tpu.memory_space<semaphore_mem>>) src(%arg4 : memref<5120xf32, #tpu.memory_space<hbm>>) dst(%arg17 : memref<5120xf32, #tpu.memory_space<vmem>>)
          tpu.yield
        }) : () -> ()
        "tpu.region"() ({
          %run_scoped3A = tpu.sem_alloc : memref<!tpu.dma_semaphore, #tpu.memory_space<semaphore_mem>>
          tpu.enqueue_dma source(%arg5 : memref<5120xf32, #tpu.memory_space<hbm>>) target(%arg18 : memref<5120xf32, #tpu.memory_space<vmem>>) target_semaphore(%run_scoped3A : memref<!tpu.dma_semaphore, #tpu.memory_space<semaphore_mem>>)
          tpu.wait_dma2 semaphore(%run_scoped3A : memref<!tpu.dma_semaphore, #tpu.memory_space<semaphore_mem>>) src(%arg5 : memref<5120xf32, #tpu.memory_space<hbm>>) dst(%arg18 : memref<5120xf32, #tpu.memory_space<vmem>>)
          tpu.yield
        }) : () -> ()
        "tpu.region"() ({
          %run_scoped3A = tpu.sem_alloc : memref<!tpu.dma_semaphore, #tpu.memory_space<semaphore_mem>>
          tpu.enqueue_dma source(%arg6 : memref<5120xf32, #tpu.memory_space<hbm>>) target(%arg19 : memref<5120xf32, #tpu.memory_space<vmem>>) target_semaphore(%run_scoped3A : memref<!tpu.dma_semaphore, #tpu.memory_space<semaphore_mem>>)
          tpu.wait_dma2 semaphore(%run_scoped3A : memref<!tpu.dma_semaphore, #tpu.memory_space<semaphore_mem>>) src(%arg6 : memref<5120xf32, #tpu.memory_space<hbm>>) dst(%arg19 : memref<5120xf32, #tpu.memory_space<vmem>>)
          tpu.yield
        }) : () -> ()
        "tpu.region"() ({
          %run_scoped3A = tpu.sem_alloc : memref<!tpu.dma_semaphore, #tpu.memory_space<semaphore_mem>>
          tpu.enqueue_dma source(%arg7 : memref<5120xf32, #tpu.memory_space<hbm>>) target(%arg20 : memref<5120xf32, #tpu.memory_space<vmem>>) target_semaphore(%run_scoped3A : memref<!tpu.dma_semaphore, #tpu.memory_space<semaphore_mem>>)
          tpu.wait_dma2 semaphore(%run_scoped3A : memref<!tpu.dma_semaphore, #tpu.memory_space<semaphore_mem>>) src(%arg7 : memref<5120xf32, #tpu.memory_space<hbm>>) dst(%arg20 : memref<5120xf32, #tpu.memory_space<vmem>>)
          tpu.yield
        }) : () -> ()
        %scan3A = arith.constant 0 : i32
        %scan3A_14 = arith.constant 0 : i32
        %scan3A_15 = arith.constant 24 : i32
        %scan3A_16 = arith.addi %scan3A_14, %scan3A_15 : i32
        %scan3A_17 = arith.constant 1 : i32
        %scan3A_18 = scf.for %scan3A_34 = %scan3A_14 to %scan3A_16 step %scan3A_17 iter_args(%scan3A_35 = %scan3A) -> (i32)  : i32 {
          %broadcast_in_dim3A = arith.constant 0 : i32
          %broadcast_in_dim3A_36 = vector.broadcast %broadcast_in_dim3A : i32 to vector<16xi32>
          %mul3A_37 = arith.constant 16 : i32
          %mul3A_38 = arith.muli %scan3A_34, %mul3A_37 : i32
          %swap3A = arith.index_cast %mul3A_38 : i32 to index
          %swap3A_39 = tpu.vector_load %arg21[%swap3A] {strides = array<i32>} : memref<384xi32, #tpu.memory_space<vmem>>, vector<16xi32>,
          tpu.vector_store %arg21[%swap3A], %broadcast_in_dim3A_36 {strides = array<i32>} : memref<384xi32, #tpu.memory_space<vmem>>, vector<16xi32>,
          %scan3A_40 = arith.constant 0 : i32
          scf.yield %scan3A_40 : i32
        }
        %scan3A_19 = arith.constant 24 : i32
        %scan3A_20 = arith.constant 0 : i32
        %scan3A_21 = arith.constant 0 : i32
        %scan3A_22 = arith.constant 80 : i32
        %scan3A_23 = arith.addi %scan3A_21, %scan3A_22 : i32
        %scan3A_24 = arith.constant 1 : i32
        %scan3A_25 = scf.for %scan3A_34 = %scan3A_21 to %scan3A_23 step %scan3A_24 iter_args(%scan3A_35 = %scan3A_20) -> (i32)  : i32 {
          %mul3A_36 = arith.constant 4 : i32
          %mul3A_37 = arith.muli %scan3A_34, %mul3A_36 : i32
          %add3A = arith.constant 0 : i32
          %add3A_38 = arith.addi %mul3A_37, %add3A : i32
          %mul3A_39 = arith.constant 16 : i32
          %mul3A_40 = arith.muli %add3A_38, %mul3A_39 : i32
          %get3A = arith.index_cast %mul3A_40 : i32 to index
          %get3A_41 = tpu.vector_load %arg15[%get3A] {strides = array<i32>} : memref<5120xi32, #tpu.memory_space<vmem>>, vector<16xi32>,
          %broadcast_in_dim3A = arith.constant true
          %broadcast_in_dim3A_42 = vector.broadcast %broadcast_in_dim3A : i1 to vector<16xi1>
          %masked_cumsum3A = tpu.scan <sum>, %get3A_41 masked %broadcast_in_dim3A_42 : vector<16xi32>, vector<16xi1> -> vector<16xi32>
          %add3A_43 = vector.broadcast %scan3A_35 : i32 to vector<16xi32>
          %add3A_44 = arith.addi %masked_cumsum3A, %add3A_43 : vector<16xi32>
          %gt3A = arith.constant 0 : i32
          %gt3A_45 = vector.broadcast %gt3A : i32 to vector<16xi32>
          %gt3A_46 = arith.cmpi sgt, %get3A_41, %gt3A_45 : vector<16xi32>
          %le3A = arith.constant 300 : i32
          %le3A_47 = vector.broadcast %le3A : i32 to vector<16xi32>
          %le3A_48 = arith.cmpi sle, %add3A_44, %le3A_47 : vector<16xi32>
          %and3A = arith.andi %gt3A_46, %le3A_48 : vector<16xi1>
          %sub3A = arith.constant 1 : i32
          %sub3A_49 = vector.broadcast %sub3A : i32 to vector<16xi32>
          %sub3A_50 = arith.subi %add3A_44, %sub3A_49 : vector<16xi32>
          %mul3A_51 = arith.constant 16 : i32
          %mul3A_52 = arith.muli %add3A_38, %mul3A_51 : i32
          %add3A_53 = vector.broadcast %mul3A_52 : i32 to vector<16xi32>
          %add3A_54 = arith.addi %add3A_53, %iota3A : vector<16xi32>
          tpu.vector_store_idx %arg21[%sub3A_50], %add3A_54 masked %and3A : memref<384xi32, #tpu.memory_space<vmem>>[vector<16xi32>], vector<16xi32>, vector<16xi1>
          %reduce_sum3A = arith.constant true
          %reduce_sum3A_55 = vector.broadcast %reduce_sum3A : i1 to vector<16xi1>
          %reduce_sum3A_56 = tpu.scan <sum>, %get3A_41 masked %reduce_sum3A_55 : vector<16xi32>, vector<16xi1> -> vector<16xi32>
          %reduce_sum3A_57 = vector.extract %reduce_sum3A_56[15] : i32 from vector<16xi32>
          %add3A_58 = arith.addi %scan3A_35, %reduce_sum3A_57 : i32
          %mul3A_59 = arith.constant 4 : i32
          %mul3A_60 = arith.muli %scan3A_34, %mul3A_59 : i32
          %add3A_61 = arith.constant 1 : i32
          %add3A_62 = arith.addi %mul3A_60, %add3A_61 : i32
          %mul3A_63 = arith.constant 16 : i32
          %mul3A_64 = arith.muli %add3A_62, %mul3A_63 : i32
          %get3A_65 = arith.index_cast %mul3A_64 : i32 to index
          %get3A_66 = tpu.vector_load %arg15[%get3A_65] {strides = array<i32>} : memref<5120xi32, #tpu.memory_space<vmem>>, vector<16xi32>,
          %broadcast_in_dim3A_67 = arith.constant true
          %broadcast_in_dim3A_68 = vector.broadcast %broadcast_in_dim3A_67 : i1 to vector<16xi1>
          %masked_cumsum3A_69 = tpu.scan <sum>, %get3A_66 masked %broadcast_in_dim3A_68 : vector<16xi32>, vector<16xi1> -> vector<16xi32>
          %add3A_70 = vector.broadcast %add3A_58 : i32 to vector<16xi32>
          %add3A_71 = arith.addi %masked_cumsum3A_69, %add3A_70 : vector<16xi32>
          %gt3A_72 = arith.constant 0 : i32
          %gt3A_73 = vector.broadcast %gt3A_72 : i32 to vector<16xi32>
          %gt3A_74 = arith.cmpi sgt, %get3A_66, %gt3A_73 : vector<16xi32>
          %le3A_75 = arith.constant 300 : i32
          %le3A_76 = vector.broadcast %le3A_75 : i32 to vector<16xi32>
          %le3A_77 = arith.cmpi sle, %add3A_71, %le3A_76 : vector<16xi32>
          %and3A_78 = arith.andi %gt3A_74, %le3A_77 : vector<16xi1>
          %sub3A_79 = arith.constant 1 : i32
          %sub3A_80 = vector.broadcast %sub3A_79 : i32 to vector<16xi32>
          %sub3A_81 = arith.subi %add3A_71, %sub3A_80 : vector<16xi32>
          %mul3A_82 = arith.constant 16 : i32
          %mul3A_83 = arith.muli %add3A_62, %mul3A_82 : i32
          %add3A_84 = vector.broadcast %mul3A_83 : i32 to vector<16xi32>
          %add3A_85 = arith.addi %add3A_84, %iota3A : vector<16xi32>
          tpu.vector_store_idx %arg21[%sub3A_81], %add3A_85 masked %and3A_78 : memref<384xi32, #tpu.memory_space<vmem>>[vector<16xi32>], vector<16xi32>, vector<16xi1>
          %reduce_sum3A_86 = arith.constant true
          %reduce_sum3A_87 = vector.broadcast %reduce_sum3A_86 : i1 to vector<16xi1>
          %reduce_sum3A_88 = tpu.scan <sum>, %get3A_66 masked %reduce_sum3A_87 : vector<16xi32>, vector<16xi1> -> vector<16xi32>
          %reduce_sum3A_89 = vector.extract %reduce_sum3A_88[15] : i32 from vector<16xi32>
          %add3A_90 = arith.addi %add3A_58, %reduce_sum3A_89 : i32
          %mul3A_91 = arith.constant 4 : i32
          %mul3A_92 = arith.muli %scan3A_34, %mul3A_91 : i32
          %add3A_93 = arith.constant 2 : i32
          %add3A_94 = arith.addi %mul3A_92, %add3A_93 : i32
          %mul3A_95 = arith.constant 16 : i32
          %mul3A_96 = arith.muli %add3A_94, %mul3A_95 : i32
          %get3A_97 = arith.index_cast %mul3A_96 : i32 to index
          %get3A_98 = tpu.vector_load %arg15[%get3A_97] {strides = array<i32>} : memref<5120xi32, #tpu.memory_space<vmem>>, vector<16xi32>,
          %broadcast_in_dim3A_99 = arith.constant true
          %broadcast_in_dim3A_100 = vector.broadcast %broadcast_in_dim3A_99 : i1 to vector<16xi1>
          %masked_cumsum3A_101 = tpu.scan <sum>, %get3A_98 masked %broadcast_in_dim3A_100 : vector<16xi32>, vector<16xi1> -> vector<16xi32>
          %add3A_102 = vector.broadcast %add3A_90 : i32 to vector<16xi32>
          %add3A_103 = arith.addi %masked_cumsum3A_101, %add3A_102 : vector<16xi32>
          %gt3A_104 = arith.constant 0 : i32
          %gt3A_105 = vector.broadcast %gt3A_104 : i32 to vector<16xi32>
          %gt3A_106 = arith.cmpi sgt, %get3A_98, %gt3A_105 : vector<16xi32>
          %le3A_107 = arith.constant 300 : i32
          %le3A_108 = vector.broadcast %le3A_107 : i32 to vector<16xi32>
          %le3A_109 = arith.cmpi sle, %add3A_103, %le3A_108 : vector<16xi32>
          %and3A_110 = arith.andi %gt3A_106, %le3A_109 : vector<16xi1>
          %sub3A_111 = arith.constant 1 : i32
          %sub3A_112 = vector.broadcast %sub3A_111 : i32 to vector<16xi32>
          %sub3A_113 = arith.subi %add3A_103, %sub3A_112 : vector<16xi32>
          %mul3A_114 = arith.constant 16 : i32
          %mul3A_115 = arith.muli %add3A_94, %mul3A_114 : i32
          %add3A_116 = vector.broadcast %mul3A_115 : i32 to vector<16xi32>
          %add3A_117 = arith.addi %add3A_116, %iota3A : vector<16xi32>
          tpu.vector_store_idx %arg21[%sub3A_113], %add3A_117 masked %and3A_110 : memref<384xi32, #tpu.memory_space<vmem>>[vector<16xi32>], vector<16xi32>, vector<16xi1>
          %reduce_sum3A_118 = arith.constant true
          %reduce_sum3A_119 = vector.broadcast %reduce_sum3A_118 : i1 to vector<16xi1>
          %reduce_sum3A_120 = tpu.scan <sum>, %get3A_98 masked %reduce_sum3A_119 : vector<16xi32>, vector<16xi1> -> vector<16xi32>
          %reduce_sum3A_121 = vector.extract %reduce_sum3A_120[15] : i32 from vector<16xi32>
          %add3A_122 = arith.addi %add3A_90, %reduce_sum3A_121 : i32
          %mul3A_123 = arith.constant 4 : i32
          %mul3A_124 = arith.muli %scan3A_34, %mul3A_123 : i32
          %add3A_125 = arith.constant 3 : i32
          %add3A_126 = arith.addi %mul3A_124, %add3A_125 : i32
          %mul3A_127 = arith.constant 16 : i32
          %mul3A_128 = arith.muli %add3A_126, %mul3A_127 : i32
          %get3A_129 = arith.index_cast %mul3A_128 : i32 to index
          %get3A_130 = tpu.vector_load %arg15[%get3A_129] {strides = array<i32>} : memref<5120xi32, #tpu.memory_space<vmem>>, vector<16xi32>,
          %broadcast_in_dim3A_131 = arith.constant true
          %broadcast_in_dim3A_132 = vector.broadcast %broadcast_in_dim3A_131 : i1 to vector<16xi1>
          %masked_cumsum3A_133 = tpu.scan <sum>, %get3A_130 masked %broadcast_in_dim3A_132 : vector<16xi32>, vector<16xi1> -> vector<16xi32>
          %add3A_134 = vector.broadcast %add3A_122 : i32 to vector<16xi32>
          %add3A_135 = arith.addi %masked_cumsum3A_133, %add3A_134 : vector<16xi32>
          %gt3A_136 = arith.constant 0 : i32
          %gt3A_137 = vector.broadcast %gt3A_136 : i32 to vector<16xi32>
          %gt3A_138 = arith.cmpi sgt, %get3A_130, %gt3A_137 : vector<16xi32>
          %le3A_139 = arith.constant 300 : i32
          %le3A_140 = vector.broadcast %le3A_139 : i32 to vector<16xi32>
          %le3A_141 = arith.cmpi sle, %add3A_135, %le3A_140 : vector<16xi32>
          %and3A_142 = arith.andi %gt3A_138, %le3A_141 : vector<16xi1>
          %sub3A_143 = arith.constant 1 : i32
          %sub3A_144 = vector.broadcast %sub3A_143 : i32 to vector<16xi32>
          %sub3A_145 = arith.subi %add3A_135, %sub3A_144 : vector<16xi32>
          %mul3A_146 = arith.constant 16 : i32
          %mul3A_147 = arith.muli %add3A_126, %mul3A_146 : i32
          %add3A_148 = vector.broadcast %mul3A_147 : i32 to vector<16xi32>
          %add3A_149 = arith.addi %add3A_148, %iota3A : vector<16xi32>
          tpu.vector_store_idx %arg21[%sub3A_145], %add3A_149 masked %and3A_142 : memref<384xi32, #tpu.memory_space<vmem>>[vector<16xi32>], vector<16xi32>, vector<16xi1>
          %reduce_sum3A_150 = arith.constant true
          %reduce_sum3A_151 = vector.broadcast %reduce_sum3A_150 : i1 to vector<16xi1>
          %reduce_sum3A_152 = tpu.scan <sum>, %get3A_130 masked %reduce_sum3A_151 : vector<16xi32>, vector<16xi1> -> vector<16xi32>
          %reduce_sum3A_153 = vector.extract %reduce_sum3A_152[15] : i32 from vector<16xi32>
          %add3A_154 = arith.addi %add3A_122, %reduce_sum3A_153 : i32
          scf.yield %add3A_154 : i32
        }
        %scan3A_26 = arith.constant 80 : i32
        %scan3A_27 = arith.constant 0 : i32
        %scan3A_28 = arith.constant 0 : i32
        %scan3A_29 = arith.constant 24 : i32
        %scan3A_30 = arith.addi %scan3A_28, %scan3A_29 : i32
        %scan3A_31 = arith.constant 1 : i32
        %scan3A_32 = scf.for %scan3A_34 = %scan3A_28 to %scan3A_30 step %scan3A_31 iter_args(%scan3A_35 = %scan3A_27) -> (i32)  : i32 {
          %mul3A_36 = arith.constant 16 : i32
          %mul3A_37 = arith.muli %scan3A_34, %mul3A_36 : i32
          %get3A = arith.index_cast %mul3A_37 : i32 to index
          %get3A_38 = tpu.vector_load %arg21[%get3A] {strides = array<i32>} : memref<384xi32, #tpu.memory_space<vmem>>, vector<16xi32>,
          %gather3A = tpu.vector_load_idx %arg16[%get3A_38] : memref<5120xi32, #tpu.memory_space<vmem>>[vector<16xi32>], vector<16xi32>,
          %mul3A_39 = arith.constant 16 : i32
          %mul3A_40 = arith.muli %scan3A_34, %mul3A_39 : i32
          %swap3A = arith.index_cast %mul3A_40 : i32 to index
          %swap3A_41 = tpu.vector_load %arg22[%swap3A] {strides = array<i32>} : memref<384xi32, #tpu.memory_space<vmem>>, vector<16xi32>,
          tpu.vector_store %arg22[%swap3A], %gather3A {strides = array<i32>} : memref<384xi32, #tpu.memory_space<vmem>>, vector<16xi32>,
          %mul3A_42 = arith.constant 16 : i32
          %mul3A_43 = arith.muli %scan3A_34, %mul3A_42 : i32
          %add3A = vector.broadcast %mul3A_43 : i32 to vector<16xi32>
          %add3A_44 = arith.addi %add3A, %iota3A : vector<16xi32>
          %lt3A = vector.broadcast %scan3A_25 : i32 to vector<16xi32>
          %lt3A_45 = arith.cmpi slt, %add3A_44, %lt3A : vector<16xi32>
          %jit3A = arith.constant 1.000000e+00 : f32
          %jit3A_46 = arith.constant 0.000000e+00 : f32
          %broadcast_in_dim3A = vector.broadcast %jit3A : f32 to vector<16xf32>
          %broadcast_in_dim3A_47 = vector.broadcast %jit3A_46 : f32 to vector<16xf32>
          %select_n3A = arith.select %lt3A_45, %broadcast_in_dim3A, %broadcast_in_dim3A_47 : vector<16xi1>, vector<16xf32>
          %mul3A_48 = arith.constant 16 : i32
          %mul3A_49 = arith.muli %scan3A_34, %mul3A_48 : i32
          %swap3A_50 = arith.index_cast %mul3A_49 : i32 to index
          %swap3A_51 = tpu.vector_load %arg23[%swap3A_50] {strides = array<i32>} : memref<384xf32, #tpu.memory_space<vmem>>, vector<16xf32>,
          tpu.vector_store %arg23[%swap3A_50], %select_n3A {strides = array<i32>} : memref<384xf32, #tpu.memory_space<vmem>>, vector<16xf32>,
          %gather3A_52 = tpu.vector_load_idx %arg17[%gather3A] : memref<5120xf32, #tpu.memory_space<vmem>>[vector<16xi32>], vector<16xf32>,
          %mul3A_53 = arith.mulf %gather3A_52, %select_n3A : vector<16xf32>
          %mul3A_54 = arith.constant 16 : i32
          %mul3A_55 = arith.muli %scan3A_34, %mul3A_54 : i32
          %swap3A_56 = arith.index_cast %mul3A_55 : i32 to index
          %swap3A_57 = tpu.vector_load %arg24[%swap3A_56] {strides = array<i32>} : memref<384xf32, #tpu.memory_space<vmem>>, vector<16xf32>,
          tpu.vector_store %arg24[%swap3A_56], %mul3A_53 {strides = array<i32>} : memref<384xf32, #tpu.memory_space<vmem>>, vector<16xf32>,
          %gather3A_58 = tpu.vector_load_idx %arg18[%gather3A] : memref<5120xf32, #tpu.memory_space<vmem>>[vector<16xi32>], vector<16xf32>,
          %mul3A_59 = arith.mulf %gather3A_58, %select_n3A : vector<16xf32>
          %mul3A_60 = arith.constant 16 : i32
          %mul3A_61 = arith.muli %scan3A_34, %mul3A_60 : i32
          %swap3A_62 = arith.index_cast %mul3A_61 : i32 to index
          %swap3A_63 = tpu.vector_load %arg25[%swap3A_62] {strides = array<i32>} : memref<384xf32, #tpu.memory_space<vmem>>, vector<16xf32>,
          tpu.vector_store %arg25[%swap3A_62], %mul3A_59 {strides = array<i32>} : memref<384xf32, #tpu.memory_space<vmem>>, vector<16xf32>,
          %gather3A_64 = tpu.vector_load_idx %arg19[%gather3A] : memref<5120xf32, #tpu.memory_space<vmem>>[vector<16xi32>], vector<16xf32>,
          %mul3A_65 = arith.mulf %gather3A_64, %select_n3A : vector<16xf32>
          %mul3A_66 = arith.constant 16 : i32
          %mul3A_67 = arith.muli %scan3A_34, %mul3A_66 : i32
          %swap3A_68 = arith.index_cast %mul3A_67 : i32 to index
          %swap3A_69 = tpu.vector_load %arg26[%swap3A_68] {strides = array<i32>} : memref<384xf32, #tpu.memory_space<vmem>>, vector<16xf32>,
          tpu.vector_store %arg26[%swap3A_68], %mul3A_65 {strides = array<i32>} : memref<384xf32, #tpu.memory_space<vmem>>, vector<16xf32>,
          %gather3A_70 = tpu.vector_load_idx %arg20[%gather3A] : memref<5120xf32, #tpu.memory_space<vmem>>[vector<16xi32>], vector<16xf32>,
          %mul3A_71 = arith.mulf %gather3A_70, %select_n3A : vector<16xf32>
          %mul3A_72 = arith.constant 16 : i32
          %mul3A_73 = arith.muli %scan3A_34, %mul3A_72 : i32
          %swap3A_74 = arith.index_cast %mul3A_73 : i32 to index
          %swap3A_75 = tpu.vector_load %arg27[%swap3A_74] {strides = array<i32>} : memref<384xf32, #tpu.memory_space<vmem>>, vector<16xf32>,
          tpu.vector_store %arg27[%swap3A_74], %mul3A_71 {strides = array<i32>} : memref<384xf32, #tpu.memory_space<vmem>>, vector<16xf32>,
          %scan3A_76 = arith.constant 0 : i32
          scf.yield %scan3A_76 : i32
        }
        %scan3A_33 = arith.constant 24 : i32
        "tpu.region"() ({
          %run_scoped3A = tpu.sem_alloc : memref<!tpu.dma_semaphore, #tpu.memory_space<semaphore_mem>>
          tpu.enqueue_dma source(%arg23 : memref<384xf32, #tpu.memory_space<vmem>>) target(%arg9 : memref<384xf32, #tpu.memory_space<hbm>>) target_semaphore(%run_scoped3A : memref<!tpu.dma_semaphore, #tpu.memory_space<semaphore_mem>>)
          tpu.wait_dma2 semaphore(%run_scoped3A : memref<!tpu.dma_semaphore, #tpu.memory_space<semaphore_mem>>) src(%arg23 : memref<384xf32, #tpu.memory_space<vmem>>) dst(%arg9 : memref<384xf32, #tpu.memory_space<hbm>>)
          tpu.yield
        }) : () -> ()
        "tpu.region"() ({
          %run_scoped3A = tpu.sem_alloc : memref<!tpu.dma_semaphore, #tpu.memory_space<semaphore_mem>>
          tpu.enqueue_dma source(%arg24 : memref<384xf32, #tpu.memory_space<vmem>>) target(%arg10 : memref<384xf32, #tpu.memory_space<hbm>>) target_semaphore(%run_scoped3A : memref<!tpu.dma_semaphore, #tpu.memory_space<semaphore_mem>>)
          tpu.wait_dma2 semaphore(%run_scoped3A : memref<!tpu.dma_semaphore, #tpu.memory_space<semaphore_mem>>) src(%arg24 : memref<384xf32, #tpu.memory_space<vmem>>) dst(%arg10 : memref<384xf32, #tpu.memory_space<hbm>>)
          tpu.yield
        }) : () -> ()
        "tpu.region"() ({
          %run_scoped3A = tpu.sem_alloc : memref<!tpu.dma_semaphore, #tpu.memory_space<semaphore_mem>>
          tpu.enqueue_dma source(%arg25 : memref<384xf32, #tpu.memory_space<vmem>>) target(%arg11 : memref<384xf32, #tpu.memory_space<hbm>>) target_semaphore(%run_scoped3A : memref<!tpu.dma_semaphore, #tpu.memory_space<semaphore_mem>>)
          tpu.wait_dma2 semaphore(%run_scoped3A : memref<!tpu.dma_semaphore, #tpu.memory_space<semaphore_mem>>) src(%arg25 : memref<384xf32, #tpu.memory_space<vmem>>) dst(%arg11 : memref<384xf32, #tpu.memory_space<hbm>>)
          tpu.yield
        }) : () -> ()
        "tpu.region"() ({
          %run_scoped3A = tpu.sem_alloc : memref<!tpu.dma_semaphore, #tpu.memory_space<semaphore_mem>>
          tpu.enqueue_dma source(%arg26 : memref<384xf32, #tpu.memory_space<vmem>>) target(%arg12 : memref<384xf32, #tpu.memory_space<hbm>>) target_semaphore(%run_scoped3A : memref<!tpu.dma_semaphore, #tpu.memory_space<semaphore_mem>>)
          tpu.wait_dma2 semaphore(%run_scoped3A : memref<!tpu.dma_semaphore, #tpu.memory_space<semaphore_mem>>) src(%arg26 : memref<384xf32, #tpu.memory_space<vmem>>) dst(%arg12 : memref<384xf32, #tpu.memory_space<hbm>>)
          tpu.yield
        }) : () -> ()
        "tpu.region"() ({
          %run_scoped3A = tpu.sem_alloc : memref<!tpu.dma_semaphore, #tpu.memory_space<semaphore_mem>>
          tpu.enqueue_dma source(%arg27 : memref<384xf32, #tpu.memory_space<vmem>>) target(%arg13 : memref<384xf32, #tpu.memory_space<hbm>>) target_semaphore(%run_scoped3A : memref<!tpu.dma_semaphore, #tpu.memory_space<semaphore_mem>>)
          tpu.wait_dma2 semaphore(%run_scoped3A : memref<!tpu.dma_semaphore, #tpu.memory_space<semaphore_mem>>) src(%arg27 : memref<384xf32, #tpu.memory_space<vmem>>) dst(%arg13 : memref<384xf32, #tpu.memory_space<hbm>>)
          tpu.yield
        }) : () -> ()
        "tpu.region"() ({
          %run_scoped3A = tpu.sem_alloc : memref<!tpu.dma_semaphore, #tpu.memory_space<semaphore_mem>>
          tpu.enqueue_dma source(%arg22 : memref<384xi32, #tpu.memory_space<vmem>>) target(%arg28 : memref<384xi32, #tpu.memory_space<vmem_shared>>) target_semaphore(%run_scoped3A : memref<!tpu.dma_semaphore, #tpu.memory_space<semaphore_mem>>)
          tpu.wait_dma2 semaphore(%run_scoped3A : memref<!tpu.dma_semaphore, #tpu.memory_space<semaphore_mem>>) src(%arg22 : memref<384xi32, #tpu.memory_space<vmem>>) dst(%arg28 : memref<384xi32, #tpu.memory_space<vmem_shared>>)
          tpu.yield
        }) : () -> ()
      } else {
      }
      %barrier3A = arith.constant 0 : index
      tpu.barrier barrier_id(%barrier3A)
      %mul3A = arith.constant 24 : i32
      %mul3A_7 = arith.muli %arg1, %mul3A : i32
      "tpu.region"() ({
        %run_scoped3A = tpu.sem_alloc : memref<!tpu.dma_semaphore, #tpu.memory_space<semaphore_mem>>
        %dma_start3A_14 = tpu.memref_slice %arg28[%mul3A_7] : memref<384xi32, #tpu.memory_space<vmem_shared>> -> memref<24xi32, #tpu.memory_space<vmem_shared>>
        %dma_start3A_15 = tpu.memref_slice %arg28[%mul3A_7] : memref<384xi32, #tpu.memory_space<vmem_shared>> -> memref<24xi32, #tpu.memory_space<vmem_shared>>
        tpu.enqueue_dma source(%dma_start3A_15 : memref<24xi32, #tpu.memory_space<vmem_shared>>) target(%arg29 : memref<24xi32, #tpu.memory_space<vmem>>) target_semaphore(%run_scoped3A : memref<!tpu.dma_semaphore, #tpu.memory_space<semaphore_mem>>)
        %dma_wait3A_16 = tpu.memref_slice %arg28[%mul3A_7] : memref<384xi32, #tpu.memory_space<vmem_shared>> -> memref<24xi32, #tpu.memory_space<vmem_shared>>
        %dma_wait3A_17 = tpu.memref_slice %arg28[%mul3A_7] : memref<384xi32, #tpu.memory_space<vmem_shared>> -> memref<24xi32, #tpu.memory_space<vmem_shared>>
        tpu.wait_dma2 semaphore(%run_scoped3A : memref<!tpu.dma_semaphore, #tpu.memory_space<semaphore_mem>>) src(%dma_wait3A_17 : memref<24xi32, #tpu.memory_space<vmem_shared>>) dst(%arg29 : memref<24xi32, #tpu.memory_space<vmem>>)
        tpu.yield
      }) : () -> ()
      %dma_start3A = arith.constant 0 : i32
      %dma_start3A_8 = arith.constant 0 : i32
      %dma_start3A_9 = tpu.memref_slice %arg8[%dma_start3A, %dma_start3A_8] : memref<5000x1024xf32, #tpu.memory_space<hbm>> -> memref<5000x1024xf32, #tpu.memory_space<hbm>>
      tpu.enqueue_indirect_dma source(%dma_start3A_9 : memref<5000x1024xf32, #tpu.memory_space<hbm>>) target(%arg30 : memref<24x1024xf32, #tpu.memory_space<vmem>>) offsets(%arg29 : memref<24xi32, #tpu.memory_space<vmem>>) semaphore(%arg31 : memref<!tpu.dma_semaphore, #tpu.memory_space<semaphore_mem>>)
      %dma_wait3A = arith.constant 0 : i32
      %dma_wait3A_10 = arith.constant 0 : i32
      %dma_wait3A_11 = tpu.memref_slice %arg8[%dma_wait3A, %dma_wait3A_10] : memref<5000x1024xf32, #tpu.memory_space<hbm>> -> memref<5000x1024xf32, #tpu.memory_space<hbm>>
      tpu.wait_indirect_dma semaphore(%arg31 : memref<!tpu.dma_semaphore, #tpu.memory_space<semaphore_mem>>) src(%dma_wait3A_11 : memref<5000x1024xf32, #tpu.memory_space<hbm>>) dst(%arg30 : memref<24x1024xf32, #tpu.memory_space<vmem>>)
      %mul3A_12 = arith.constant 24 : i32
      %mul3A_13 = arith.muli %arg1, %mul3A_12 : i32
      "tpu.region"() ({
        %run_scoped3A = tpu.sem_alloc : memref<!tpu.dma_semaphore, #tpu.memory_space<semaphore_mem>>
        %dma_start3A_14 = arith.constant 0 : i32
        %dma_start3A_15 = tpu.memref_slice %arg14[%mul3A_13, %dma_start3A_14] : memref<384x1024xf32, #tpu.memory_space<hbm>> -> memref<24x1024xf32, #tpu.memory_space<hbm>>
        %dma_start3A_16 = arith.constant 0 : i32
        %dma_start3A_17 = tpu.memref_slice %arg14[%mul3A_13, %dma_start3A_16] : memref<384x1024xf32, #tpu.memory_space<hbm>> -> memref<24x1024xf32, #tpu.memory_space<hbm>>
        tpu.enqueue_dma source(%arg30 : memref<24x1024xf32, #tpu.memory_space<vmem>>) target(%dma_start3A_17 : memref<24x1024xf32, #tpu.memory_space<hbm>>) target_semaphore(%run_scoped3A : memref<!tpu.dma_semaphore, #tpu.memory_space<semaphore_mem>>)
        %dma_wait3A_18 = arith.constant 0 : i32
        %dma_wait3A_19 = tpu.memref_slice %arg14[%mul3A_13, %dma_wait3A_18] : memref<384x1024xf32, #tpu.memory_space<hbm>> -> memref<24x1024xf32, #tpu.memory_space<hbm>>
        %dma_wait3A_20 = arith.constant 0 : i32
        %dma_wait3A_21 = tpu.memref_slice %arg14[%mul3A_13, %dma_wait3A_20] : memref<384x1024xf32, #tpu.memory_space<hbm>> -> memref<24x1024xf32, #tpu.memory_space<hbm>>
        tpu.wait_dma2 semaphore(%run_scoped3A : memref<!tpu.dma_semaphore, #tpu.memory_space<semaphore_mem>>) src(%arg30 : memref<24x1024xf32, #tpu.memory_space<vmem>>) dst(%dma_wait3A_21 : memref<24x1024xf32, #tpu.memory_space<hbm>>)
        tpu.yield
      }) : () -> ()
    } else {
    }
    return
  }
}

module attributes {stable_mosaic.version = 14 : i64} {
  func.func @_rank_body(%arg0: memref<1x5120xf32, #tpu.memory_space<vmem>>, %arg1: memref<1x5120xi32, #tpu.memory_space<vmem>>) attributes {dimension_semantics = [], scalar_prefetch = 0 : i64, scratch_operands = 0 : i64, tpu.core_type = #tpu.core_type<tc>} {
    %iota3A = tpu.iota {dimensions = array<i32: 0>} : vector<128x128xi32>
    %iota3A_0 = tpu.iota {dimensions = array<i32: 1>} : vector<128x128xi32>
    %eq3A = arith.cmpi eq, %iota3A, %iota3A_0 : vector<128x128xi32>
    %convert_element_type3A = arith.extui %eq3A : vector<128x128xi1> to vector<128x128xi32>
    %convert_element_type3A_1 = arith.sitofp %convert_element_type3A : vector<128x128xi32> to vector<128x128xf32>
    %scan3A = arith.constant 0 : i32
    %scan3A_2 = arith.constant 40 : i32
    %scan3A_3 = arith.addi %scan3A, %scan3A_2 : i32
    %scan3A_4 = arith.constant 1 : i32
    scf.for %scan3A_6 = %scan3A to %scan3A_3 step %scan3A_4  : i32 {
      %mul3A = arith.constant 128 : i32
      %mul3A_7 = arith.muli %scan3A_6, %mul3A : i32
      %get3A = arith.constant 0 : index
      %get3A_8 = arith.index_cast %mul3A_7 : i32 to index
      %get3A_9 = vector.load %arg0[%get3A, %get3A_8] : memref<1x5120xf32, #tpu.memory_space<vmem>>, vector<1x128xf32>
      %dot_general3A = arith.constant dense<0.000000e+00> : vector<128x1xf32>
      %dot_general3A_10 = tpu.matmul %convert_element_type3A_1, %get3A_9, %dot_general3A {dimension_numbers = #tpu.dot_dimension_numbers<[1], [1], [0], [0], [0, 0, 1, 0], [], []>, precision = #tpu.contract_precision<fp32>, transpose_lhs_hint = false} : vector<128x128xf32>, vector<1x128xf32>, vector<128x1xf32> -> vector<128x1xf32>
      %broadcast_in_dim3A = arith.constant 0.000000e+00 : f32
      %broadcast_in_dim3A_11 = vector.broadcast %broadcast_in_dim3A : f32 to vector<128x128xf32>
      %scan3A_12 = arith.constant 0 : i32
      %scan3A_13 = arith.constant 10 : i32
      %scan3A_14 = arith.addi %scan3A_12, %scan3A_13 : i32
      %scan3A_15 = arith.constant 1 : i32
      %scan3A_16 = scf.for %scan3A_32 = %scan3A_12 to %scan3A_14 step %scan3A_15 iter_args(%scan3A_33 = %broadcast_in_dim3A_11) -> (vector<128x128xf32>)  : i32 {
        %mul3A_34 = arith.constant 4 : i32
        %mul3A_35 = arith.muli %scan3A_32, %mul3A_34 : i32
        %add3A_36 = arith.constant 0 : i32
        %add3A_37 = arith.addi %mul3A_35, %add3A_36 : i32
        %mul3A_38 = arith.constant 128 : i32
        %mul3A_39 = arith.muli %add3A_37, %mul3A_38 : i32
        %get3A_40 = arith.constant 0 : index
        %get3A_41 = arith.index_cast %mul3A_39 : i32 to index
        %get3A_42 = vector.load %arg0[%get3A_40, %get3A_41] : memref<1x5120xf32, #tpu.memory_space<vmem>>, vector<1x128xf32>
        %lt3A_43 = arith.cmpi slt, %add3A_37, %scan3A_6 : i32
        %ge3A = vector.broadcast %get3A_42 : vector<1x128xf32> to vector<128x128xf32>
        %ge3A_44 = vector.broadcast %dot_general3A_10 : vector<128x1xf32> to vector<128x128xf32>
        %ge3A_45 = arith.cmpf oge, %ge3A, %ge3A_44 : vector<128x128xf32>
        %convert_element_type3A_46 = arith.extui %ge3A_45 : vector<128x128xi1> to vector<128x128xi32>
        %convert_element_type3A_47 = arith.sitofp %convert_element_type3A_46 : vector<128x128xi32> to vector<128x128xf32>
        %gt3A = vector.broadcast %get3A_42 : vector<1x128xf32> to vector<128x128xf32>
        %gt3A_48 = vector.broadcast %dot_general3A_10 : vector<128x1xf32> to vector<128x128xf32>
        %gt3A_49 = arith.cmpf ogt, %gt3A, %gt3A_48 : vector<128x128xf32>
        %convert_element_type3A_50 = arith.extui %gt3A_49 : vector<128x128xi1> to vector<128x128xi32>
        %convert_element_type3A_51 = arith.sitofp %convert_element_type3A_50 : vector<128x128xi32> to vector<128x128xf32>
        %select_n3A = arith.select %lt3A_43, %convert_element_type3A_47, %convert_element_type3A_51 : vector<128x128xf32>
        %add3A_52 = arith.addf %scan3A_33, %select_n3A : vector<128x128xf32>
        %mul3A_53 = arith.constant 4 : i32
        %mul3A_54 = arith.muli %scan3A_32, %mul3A_53 : i32
        %add3A_55 = arith.constant 1 : i32
        %add3A_56 = arith.addi %mul3A_54, %add3A_55 : i32
        %mul3A_57 = arith.constant 128 : i32
        %mul3A_58 = arith.muli %add3A_56, %mul3A_57 : i32
        %get3A_59 = arith.constant 0 : index
        %get3A_60 = arith.index_cast %mul3A_58 : i32 to index
        %get3A_61 = vector.load %arg0[%get3A_59, %get3A_60] : memref<1x5120xf32, #tpu.memory_space<vmem>>, vector<1x128xf32>
        %lt3A_62 = arith.cmpi slt, %add3A_56, %scan3A_6 : i32
        %ge3A_63 = vector.broadcast %get3A_61 : vector<1x128xf32> to vector<128x128xf32>
        %ge3A_64 = vector.broadcast %dot_general3A_10 : vector<128x1xf32> to vector<128x128xf32>
        %ge3A_65 = arith.cmpf oge, %ge3A_63, %ge3A_64 : vector<128x128xf32>
        %convert_element_type3A_66 = arith.extui %ge3A_65 : vector<128x128xi1> to vector<128x128xi32>
        %convert_element_type3A_67 = arith.sitofp %convert_element_type3A_66 : vector<128x128xi32> to vector<128x128xf32>
        %gt3A_68 = vector.broadcast %get3A_61 : vector<1x128xf32> to vector<128x128xf32>
        %gt3A_69 = vector.broadcast %dot_general3A_10 : vector<128x1xf32> to vector<128x128xf32>
        %gt3A_70 = arith.cmpf ogt, %gt3A_68, %gt3A_69 : vector<128x128xf32>
        %convert_element_type3A_71 = arith.extui %gt3A_70 : vector<128x128xi1> to vector<128x128xi32>
        %convert_element_type3A_72 = arith.sitofp %convert_element_type3A_71 : vector<128x128xi32> to vector<128x128xf32>
        %select_n3A_73 = arith.select %lt3A_62, %convert_element_type3A_67, %convert_element_type3A_72 : vector<128x128xf32>
        %add3A_74 = arith.addf %add3A_52, %select_n3A_73 : vector<128x128xf32>
        %mul3A_75 = arith.constant 4 : i32
        %mul3A_76 = arith.muli %scan3A_32, %mul3A_75 : i32
        %add3A_77 = arith.constant 2 : i32
        %add3A_78 = arith.addi %mul3A_76, %add3A_77 : i32
        %mul3A_79 = arith.constant 128 : i32
        %mul3A_80 = arith.muli %add3A_78, %mul3A_79 : i32
        %get3A_81 = arith.constant 0 : index
        %get3A_82 = arith.index_cast %mul3A_80 : i32 to index
        %get3A_83 = vector.load %arg0[%get3A_81, %get3A_82] : memref<1x5120xf32, #tpu.memory_space<vmem>>, vector<1x128xf32>
        %lt3A_84 = arith.cmpi slt, %add3A_78, %scan3A_6 : i32
        %ge3A_85 = vector.broadcast %get3A_83 : vector<1x128xf32> to vector<128x128xf32>
        %ge3A_86 = vector.broadcast %dot_general3A_10 : vector<128x1xf32> to vector<128x128xf32>
        %ge3A_87 = arith.cmpf oge, %ge3A_85, %ge3A_86 : vector<128x128xf32>
        %convert_element_type3A_88 = arith.extui %ge3A_87 : vector<128x128xi1> to vector<128x128xi32>
        %convert_element_type3A_89 = arith.sitofp %convert_element_type3A_88 : vector<128x128xi32> to vector<128x128xf32>
        %gt3A_90 = vector.broadcast %get3A_83 : vector<1x128xf32> to vector<128x128xf32>
        %gt3A_91 = vector.broadcast %dot_general3A_10 : vector<128x1xf32> to vector<128x128xf32>
        %gt3A_92 = arith.cmpf ogt, %gt3A_90, %gt3A_91 : vector<128x128xf32>
        %convert_element_type3A_93 = arith.extui %gt3A_92 : vector<128x128xi1> to vector<128x128xi32>
        %convert_element_type3A_94 = arith.sitofp %convert_element_type3A_93 : vector<128x128xi32> to vector<128x128xf32>
        %select_n3A_95 = arith.select %lt3A_84, %convert_element_type3A_89, %convert_element_type3A_94 : vector<128x128xf32>
        %add3A_96 = arith.addf %add3A_74, %select_n3A_95 : vector<128x128xf32>
        %mul3A_97 = arith.constant 4 : i32
        %mul3A_98 = arith.muli %scan3A_32, %mul3A_97 : i32
        %add3A_99 = arith.constant 3 : i32
        %add3A_100 = arith.addi %mul3A_98, %add3A_99 : i32
        %mul3A_101 = arith.constant 128 : i32
        %mul3A_102 = arith.muli %add3A_100, %mul3A_101 : i32
        %get3A_103 = arith.constant 0 : index
        %get3A_104 = arith.index_cast %mul3A_102 : i32 to index
        %get3A_105 = vector.load %arg0[%get3A_103, %get3A_104] : memref<1x5120xf32, #tpu.memory_space<vmem>>, vector<1x128xf32>
        %lt3A_106 = arith.cmpi slt, %add3A_100, %scan3A_6 : i32
        %ge3A_107 = vector.broadcast %get3A_105 : vector<1x128xf32> to vector<128x128xf32>
        %ge3A_108 = vector.broadcast %dot_general3A_10 : vector<128x1xf32> to vector<128x128xf32>
        %ge3A_109 = arith.cmpf oge, %ge3A_107, %ge3A_108 : vector<128x128xf32>
        %convert_element_type3A_110 = arith.extui %ge3A_109 : vector<128x128xi1> to vector<128x128xi32>
        %convert_element_type3A_111 = arith.sitofp %convert_element_type3A_110 : vector<128x128xi32> to vector<128x128xf32>
        %gt3A_112 = vector.broadcast %get3A_105 : vector<1x128xf32> to vector<128x128xf32>
        %gt3A_113 = vector.broadcast %dot_general3A_10 : vector<128x1xf32> to vector<128x128xf32>
        %gt3A_114 = arith.cmpf ogt, %gt3A_112, %gt3A_113 : vector<128x128xf32>
        %convert_element_type3A_115 = arith.extui %gt3A_114 : vector<128x128xi1> to vector<128x128xi32>
        %convert_element_type3A_116 = arith.sitofp %convert_element_type3A_115 : vector<128x128xi32> to vector<128x128xf32>
        %select_n3A_117 = arith.select %lt3A_106, %convert_element_type3A_111, %convert_element_type3A_116 : vector<128x128xf32>
        %add3A_118 = arith.addf %add3A_96, %select_n3A_117 : vector<128x128xf32>
        scf.yield %add3A_118 : vector<128x128xf32>
      }
      %scan3A_17 = arith.constant 10 : i32
      %eq3A_18 = vector.broadcast %get3A_9 : vector<1x128xf32> to vector<128x128xf32>
      %eq3A_19 = vector.broadcast %dot_general3A_10 : vector<128x1xf32> to vector<128x128xf32>
      %eq3A_20 = arith.cmpf oeq, %eq3A_18, %eq3A_19 : vector<128x128xf32>
      %lt3A = arith.cmpi slt, %iota3A_0, %iota3A : vector<128x128xi32>
      %and3A = arith.andi %eq3A_20, %lt3A : vector<128x128xi1>
      %convert_element_type3A_21 = arith.extui %and3A : vector<128x128xi1> to vector<128x128xi32>
      %convert_element_type3A_22 = arith.sitofp %convert_element_type3A_21 : vector<128x128xi32> to vector<128x128xf32>
      %add3A = arith.addf %scan3A_16, %convert_element_type3A_22 : vector<128x128xf32>
      %reduce_sum3A = arith.constant dense<0.000000e+00> : vector<128xf32>
      %reduce_sum3A_23 = vector.multi_reduction <add>, %add3A, %reduce_sum3A [1] : vector<128x128xf32> to vector<128xf32>
      %broadcast_in_dim3A_24 = vector.shape_cast %reduce_sum3A_23 : vector<128xf32> to vector<128x1xf32>
      %dot_general3A_25 = arith.constant dense<0.000000e+00> : vector<1x128xf32>
      %dot_general3A_26 = tpu.matmul %broadcast_in_dim3A_24, %convert_element_type3A_1, %dot_general3A_25 {dimension_numbers = #tpu.dot_dimension_numbers<[0], [0], [1], [1], [0, 1, 1, 1], [], []>, precision = #tpu.contract_precision<fp32>, transpose_lhs_hint = false} : vector<128x1xf32>, vector<128x128xf32>, vector<1x128xf32> -> vector<1x128xf32>
      %convert_element_type3A_27 = arith.fptosi %dot_general3A_26 : vector<1x128xf32> to vector<1x128xi32>
      %mul3A_28 = arith.constant 128 : i32
      %mul3A_29 = arith.muli %scan3A_6, %mul3A_28 : i32
      %swap3A = arith.constant 0 : index
      %swap3A_30 = arith.index_cast %mul3A_29 : i32 to index
      %swap3A_31 = vector.load %arg1[%swap3A, %swap3A_30] : memref<1x5120xi32, #tpu.memory_space<vmem>>, vector<1x128xi32>
      tpu.vector_store %arg1[%swap3A, %swap3A_30], %convert_element_type3A_27 {strides = array<i32>} : memref<1x5120xi32, #tpu.memory_space<vmem>>, vector<1x128xi32>,
    }
    %scan3A_5 = arith.constant 40 : i32
    return
  }
}

module attributes {stable_mosaic.version = 14 : i64} {
  func.func @_nms_body(%arg0: memref<1x5120xf32, #tpu.memory_space<vmem>>, %arg1: memref<1x5120xf32, #tpu.memory_space<vmem>>, %arg2: memref<1x5120xf32, #tpu.memory_space<vmem>>, %arg3: memref<1x5120xf32, #tpu.memory_space<vmem>>, %arg4: memref<1x5120xi32, #tpu.memory_space<vmem>>, %arg5: memref<1x5120xf32, #tpu.memory_space<vmem>>) attributes {dimension_semantics = [], scalar_prefetch = 0 : i64, scratch_operands = 1 : i64, tpu.core_type = #tpu.core_type<tc>} {
    %broadcast_in_dim3A = arith.constant 0.000000e+00 : f32
    %broadcast_in_dim3A_0 = vector.broadcast %broadcast_in_dim3A : f32 to vector<1x5120xf32>
    %swap3A = arith.constant 0 : index
    %swap3A_1 = arith.constant 0 : index
    %swap3A_2 = vector.load %arg5[%swap3A, %swap3A_1] : memref<1x5120xf32, #tpu.memory_space<vmem>>, vector<1x5120xf32>
    tpu.vector_store %arg5[%swap3A, %swap3A_1], %broadcast_in_dim3A_0 {strides = array<i32>} : memref<1x5120xf32, #tpu.memory_space<vmem>>, vector<1x5120xf32>,
    %iota3A = tpu.iota {dimensions = array<i32: 0>} : vector<128x128xi32>
    %iota3A_3 = tpu.iota {dimensions = array<i32: 1>} : vector<128x128xi32>
    %eq3A = arith.cmpi eq, %iota3A, %iota3A_3 : vector<128x128xi32>
    %convert_element_type3A = arith.extui %eq3A : vector<128x128xi1> to vector<128x128xi32>
    %convert_element_type3A_4 = arith.sitofp %convert_element_type3A : vector<128x128xi32> to vector<128x128xf32>
    %lt3A = arith.cmpi slt, %iota3A, %iota3A_3 : vector<128x128xi32>
    %convert_element_type3A_5 = arith.extui %lt3A : vector<128x128xi1> to vector<128x128xi32>
    %convert_element_type3A_6 = arith.sitofp %convert_element_type3A_5 : vector<128x128xi32> to vector<128x128xf32>
    %iota3A_7 = tpu.iota {dimensions = array<i32: 1>} : vector<1x128xi32>
    %iota3A_8 = tpu.iota {dimensions = array<i32: 1>} : vector<1x1024xi32>
    %scan3A = arith.constant 0 : i32
    %scan3A_9 = arith.constant 40 : i32
    %scan3A_10 = arith.addi %scan3A, %scan3A_9 : i32
    %scan3A_11 = arith.constant 1 : i32
    scf.for %scan3A_13 = %scan3A to %scan3A_10 step %scan3A_11  : i32 {
      %mul3A = arith.constant 128 : i32
      %mul3A_14 = arith.muli %scan3A_13, %mul3A : i32
      %get3A = arith.constant 0 : index
      %get3A_15 = arith.index_cast %mul3A_14 : i32 to index
      %get3A_16 = vector.load %arg0[%get3A, %get3A_15] : memref<1x5120xf32, #tpu.memory_space<vmem>>, vector<1x128xf32>
      %mul3A_17 = arith.constant 128 : i32
      %mul3A_18 = arith.muli %scan3A_13, %mul3A_17 : i32
      %get3A_19 = arith.constant 0 : index
      %get3A_20 = arith.index_cast %mul3A_18 : i32 to index
      %get3A_21 = vector.load %arg1[%get3A_19, %get3A_20] : memref<1x5120xf32, #tpu.memory_space<vmem>>, vector<1x128xf32>
      %mul3A_22 = arith.constant 128 : i32
      %mul3A_23 = arith.muli %scan3A_13, %mul3A_22 : i32
      %get3A_24 = arith.constant 0 : index
      %get3A_25 = arith.index_cast %mul3A_23 : i32 to index
      %get3A_26 = vector.load %arg2[%get3A_24, %get3A_25] : memref<1x5120xf32, #tpu.memory_space<vmem>>, vector<1x128xf32>
      %mul3A_27 = arith.constant 128 : i32
      %mul3A_28 = arith.muli %scan3A_13, %mul3A_27 : i32
      %get3A_29 = arith.constant 0 : index
      %get3A_30 = arith.index_cast %mul3A_28 : i32 to index
      %get3A_31 = vector.load %arg3[%get3A_29, %get3A_30] : memref<1x5120xf32, #tpu.memory_space<vmem>>, vector<1x128xf32>
      %dot_general3A = arith.constant dense<0.000000e+00> : vector<128x1xf32>
      %dot_general3A_32 = tpu.matmul %convert_element_type3A_4, %get3A_16, %dot_general3A {dimension_numbers = #tpu.dot_dimension_numbers<[1], [1], [0], [0], [0, 0, 1, 0], [], []>, precision = #tpu.contract_precision<fp32>, transpose_lhs_hint = false} : vector<128x128xf32>, vector<1x128xf32>, vector<128x1xf32> -> vector<128x1xf32>
      %dot_general3A_33 = arith.constant dense<0.000000e+00> : vector<128x1xf32>
      %dot_general3A_34 = tpu.matmul %convert_element_type3A_4, %get3A_21, %dot_general3A_33 {dimension_numbers = #tpu.dot_dimension_numbers<[1], [1], [0], [0], [0, 0, 1, 0], [], []>, precision = #tpu.contract_precision<fp32>, transpose_lhs_hint = false} : vector<128x128xf32>, vector<1x128xf32>, vector<128x1xf32> -> vector<128x1xf32>
      %dot_general3A_35 = arith.constant dense<0.000000e+00> : vector<128x1xf32>
      %dot_general3A_36 = tpu.matmul %convert_element_type3A_4, %get3A_26, %dot_general3A_35 {dimension_numbers = #tpu.dot_dimension_numbers<[1], [1], [0], [0], [0, 0, 1, 0], [], []>, precision = #tpu.contract_precision<fp32>, transpose_lhs_hint = false} : vector<128x128xf32>, vector<1x128xf32>, vector<128x1xf32> -> vector<128x1xf32>
      %dot_general3A_37 = arith.constant dense<0.000000e+00> : vector<128x1xf32>
      %dot_general3A_38 = tpu.matmul %convert_element_type3A_4, %get3A_31, %dot_general3A_37 {dimension_numbers = #tpu.dot_dimension_numbers<[1], [1], [0], [0], [0, 0, 1, 0], [], []>, precision = #tpu.contract_precision<fp32>, transpose_lhs_hint = false} : vector<128x128xf32>, vector<1x128xf32>, vector<128x1xf32> -> vector<128x1xf32>
      %sub3A = arith.subf %get3A_26, %get3A_16 : vector<1x128xf32>
      %sub3A_39 = arith.subf %get3A_31, %get3A_21 : vector<1x128xf32>
      %mul3A_40 = arith.mulf %sub3A, %sub3A_39 : vector<1x128xf32>
      %sub3A_41 = arith.subf %dot_general3A_36, %dot_general3A_32 : vector<128x1xf32>
      %sub3A_42 = arith.subf %dot_general3A_38, %dot_general3A_34 : vector<128x1xf32>
      %mul3A_43 = arith.mulf %sub3A_41, %sub3A_42 : vector<128x1xf32>
      %max3A = vector.broadcast %dot_general3A_32 : vector<128x1xf32> to vector<128x128xf32>
      %max3A_44 = vector.broadcast %get3A_16 : vector<1x128xf32> to vector<128x128xf32>
      %max3A_45 = arith.maximumf %max3A, %max3A_44 : vector<128x128xf32>
      %max3A_46 = vector.broadcast %dot_general3A_34 : vector<128x1xf32> to vector<128x128xf32>
      %max3A_47 = vector.broadcast %get3A_21 : vector<1x128xf32> to vector<128x128xf32>
      %max3A_48 = arith.maximumf %max3A_46, %max3A_47 : vector<128x128xf32>
      %min3A = vector.broadcast %dot_general3A_36 : vector<128x1xf32> to vector<128x128xf32>
      %min3A_49 = vector.broadcast %get3A_26 : vector<1x128xf32> to vector<128x128xf32>
      %min3A_50 = arith.minimumf %min3A, %min3A_49 : vector<128x128xf32>
      %min3A_51 = vector.broadcast %dot_general3A_38 : vector<128x1xf32> to vector<128x128xf32>
      %min3A_52 = vector.broadcast %get3A_31 : vector<1x128xf32> to vector<128x128xf32>
      %min3A_53 = arith.minimumf %min3A_51, %min3A_52 : vector<128x128xf32>
      %sub3A_54 = arith.subf %min3A_50, %max3A_45 : vector<128x128xf32>
      %max3A_55 = arith.constant 0.000000e+00 : f32
      %max3A_56 = vector.broadcast %max3A_55 : f32 to vector<128x128xf32>
      %max3A_57 = arith.maximumf %max3A_56, %sub3A_54 : vector<128x128xf32>
      %sub3A_58 = arith.subf %min3A_53, %max3A_48 : vector<128x128xf32>
      %max3A_59 = arith.constant 0.000000e+00 : f32
      %max3A_60 = vector.broadcast %max3A_59 : f32 to vector<128x128xf32>
      %max3A_61 = arith.maximumf %max3A_60, %sub3A_58 : vector<128x128xf32>
      %mul3A_62 = arith.mulf %max3A_57, %max3A_61 : vector<128x128xf32>
      %add3A = vector.broadcast %mul3A_43 : vector<128x1xf32> to vector<128x128xf32>
      %add3A_63 = vector.broadcast %mul3A_40 : vector<1x128xf32> to vector<128x128xf32>
      %add3A_64 = arith.addf %add3A, %add3A_63 : vector<128x128xf32>
      %sub3A_65 = arith.subf %add3A_64, %mul3A_62 : vector<128x128xf32>
      %add3A_66 = arith.constant 9.99999971E-10 : f32
      %add3A_67 = vector.broadcast %add3A_66 : f32 to vector<128x128xf32>
      %add3A_68 = arith.addf %sub3A_65, %add3A_67 : vector<128x128xf32>
      %div3A = arith.divf %mul3A_62, %add3A_68 : vector<128x128xf32>
      %gt3A = arith.constant 0.699999988 : f32
      %gt3A_69 = vector.broadcast %gt3A : f32 to vector<128x128xf32>
      %gt3A_70 = arith.cmpf ogt, %div3A, %gt3A_69 : vector<128x128xf32>
      %convert_element_type3A_71 = arith.extui %gt3A_70 : vector<128x128xi1> to vector<128x128xi32>
      %convert_element_type3A_72 = arith.sitofp %convert_element_type3A_71 : vector<128x128xi32> to vector<128x128xf32>
      %mul3A_73 = arith.mulf %convert_element_type3A_72, %convert_element_type3A_6 : vector<128x128xf32>
      %gt3A_74 = arith.cmpi sgt, %iota3A, %iota3A_3 : vector<128x128xi32>
      %convert_element_type3A_75 = arith.extui %gt3A_74 : vector<128x128xi1> to vector<128x128xi32>
      %convert_element_type3A_76 = arith.sitofp %convert_element_type3A_75 : vector<128x128xi32> to vector<128x128xf32>
      %mul3A_77 = arith.mulf %convert_element_type3A_72, %convert_element_type3A_76 : vector<128x128xf32>
      %mul3A_78 = arith.constant 128 : i32
      %mul3A_79 = arith.muli %scan3A_13, %mul3A_78 : i32
      %add3A_80 = vector.broadcast %mul3A_79 : i32 to vector<1x128xi32>
      %add3A_81 = arith.addi %add3A_80, %iota3A_7 : vector<1x128xi32>
      %ge3A = arith.constant 5000 : i32
      %ge3A_82 = vector.broadcast %ge3A : i32 to vector<1x128xi32>
      %ge3A_83 = arith.cmpi sge, %add3A_81, %ge3A_82 : vector<1x128xi32>
      %convert_element_type3A_84 = arith.extui %ge3A_83 : vector<1x128xi1> to vector<1x128xi32>
      %convert_element_type3A_85 = arith.sitofp %convert_element_type3A_84 : vector<1x128xi32> to vector<1x128xf32>
      %mul3A_86 = arith.constant 128 : i32
      %mul3A_87 = arith.muli %scan3A_13, %mul3A_86 : i32
      %get3A_88 = arith.constant 0 : index
      %get3A_89 = arith.index_cast %mul3A_87 : i32 to index
      %get3A_90 = vector.load %arg5[%get3A_88, %get3A_89] : memref<1x5120xf32, #tpu.memory_space<vmem>>, vector<1x128xf32>
      %max3A_91 = arith.maximumf %get3A_90, %convert_element_type3A_85 : vector<1x128xf32>
      %dot_general3A_92 = arith.constant dense<0.000000e+00> : vector<128x1xf32>
      %dot_general3A_93 = tpu.matmul %convert_element_type3A_4, %max3A_91, %dot_general3A_92 {dimension_numbers = #tpu.dot_dimension_numbers<[1], [1], [0], [0], [0, 0, 1, 0], [], []>, precision = #tpu.contract_precision<fp32>, transpose_lhs_hint = false} : vector<128x128xf32>, vector<1x128xf32>, vector<128x1xf32> -> vector<128x1xf32>
      %broadcast_in_dim3A_94 = arith.constant 0.000000e+00 : f32
      %broadcast_in_dim3A_95 = vector.broadcast %broadcast_in_dim3A_94 : f32 to vector<1x128xf32>
      %broadcast_in_dim3A_96 = arith.constant 0.000000e+00 : f32
      %broadcast_in_dim3A_97 = vector.broadcast %broadcast_in_dim3A_96 : f32 to vector<128x1xf32>
      %while3A:4 = scf.while (%while3A_138 = %max3A_91, %while3A_139 = %dot_general3A_93, %while3A_140 = %broadcast_in_dim3A_95, %while3A_141 = %broadcast_in_dim3A_97) : (vector<1x128xf32>, vector<128x1xf32>, vector<1x128xf32>, vector<128x1xf32>) -> (vector<1x128xf32>, vector<128x1xf32>, vector<1x128xf32>, vector<128x1xf32>) {
        %sub3A_142 = arith.constant 1.000000e+00 : f32
        %sub3A_143 = vector.broadcast %sub3A_142 : f32 to vector<1x128xf32>
        %sub3A_144 = arith.subf %sub3A_143, %while3A_138 : vector<1x128xf32>
        %sub3A_145 = arith.constant 1.000000e+00 : f32
        %sub3A_146 = vector.broadcast %sub3A_145 : f32 to vector<1x128xf32>
        %sub3A_147 = arith.subf %sub3A_146, %while3A_140 : vector<1x128xf32>
        %mul3A_148 = arith.mulf %sub3A_144, %sub3A_147 : vector<1x128xf32>
        %reduce_sum3A = vector.shape_cast %mul3A_148 : vector<1x128xf32> to vector<1x1x128xf32>
        %reduce_sum3A_149 = arith.constant dense<0.000000e+00> : vector<1xf32>
        %reduce_sum3A_150 = vector.multi_reduction <add>, %reduce_sum3A, %reduce_sum3A_149 [1, 2] : vector<1x1x128xf32> to vector<1xf32>
        %reduce_sum3A_151 = vector.shape_cast %reduce_sum3A_150 : vector<1xf32> to vector<1x1x1xf32>
        %reduce_sum3A_152 = vector.extract %reduce_sum3A_151[0, 0, 0] : f32 from vector<1x1x1xf32>
        %gt3A_153 = arith.constant 0.000000e+00 : f32
        %gt3A_154 = arith.cmpf ogt, %reduce_sum3A_152, %gt3A_153 : f32
        scf.condition(%gt3A_154) %while3A_138, %while3A_139, %while3A_140, %while3A_141 : vector<1x128xf32>, vector<128x1xf32>, vector<1x128xf32>, vector<128x1xf32>
      } do {
      ^bb0(%while3A_138: vector<1x128xf32>, %while3A_139: vector<128x1xf32>, %while3A_140: vector<1x128xf32>, %while3A_141: vector<128x1xf32>):
        %mul3A_142 = vector.broadcast %while3A_141 : vector<128x1xf32> to vector<128x128xf32>
        %mul3A_143 = arith.mulf %mul3A_73, %mul3A_142 : vector<128x128xf32>
        %reduce_max3A = arith.constant dense<0xFF800000> : vector<128xf32>
        %reduce_max3A_144 = vector.multi_reduction <maximumf>, %mul3A_143, %reduce_max3A [0] : vector<128x128xf32> to vector<128xf32>
        %broadcast_in_dim3A_145 = vector.shape_cast %reduce_max3A_144 : vector<128xf32> to vector<1x128xf32>
        %mul3A_146 = vector.broadcast %while3A_140 : vector<1x128xf32> to vector<128x128xf32>
        %mul3A_147 = arith.mulf %mul3A_77, %mul3A_146 : vector<128x128xf32>
        %reduce_max3A_148 = arith.constant dense<0xFF800000> : vector<128xf32>
        %reduce_max3A_149 = vector.multi_reduction <maximumf>, %mul3A_147, %reduce_max3A_148 [1] : vector<128x128xf32> to vector<128xf32>
        %broadcast_in_dim3A_150 = vector.shape_cast %reduce_max3A_149 : vector<128xf32> to vector<128x1xf32>
        %max3A_151 = arith.maximumf %while3A_138, %broadcast_in_dim3A_145 : vector<1x128xf32>
        %max3A_152 = arith.maximumf %while3A_139, %broadcast_in_dim3A_150 : vector<128x1xf32>
        %sub3A_153 = arith.constant 1.000000e+00 : f32
        %sub3A_154 = vector.broadcast %sub3A_153 : f32 to vector<128x1xf32>
        %sub3A_155 = arith.subf %sub3A_154, %while3A_139 : vector<128x1xf32>
        %mul3A_156 = vector.broadcast %sub3A_155 : vector<128x1xf32> to vector<128x128xf32>
        %mul3A_157 = arith.mulf %mul3A_73, %mul3A_156 : vector<128x128xf32>
        %reduce_max3A_158 = arith.constant dense<0xFF800000> : vector<128xf32>
        %reduce_max3A_159 = vector.multi_reduction <maximumf>, %mul3A_157, %reduce_max3A_158 [0] : vector<128x128xf32> to vector<128xf32>
        %broadcast_in_dim3A_160 = vector.shape_cast %reduce_max3A_159 : vector<128xf32> to vector<1x128xf32>
        %sub3A_161 = arith.constant 1.000000e+00 : f32
        %sub3A_162 = vector.broadcast %sub3A_161 : f32 to vector<1x128xf32>
        %sub3A_163 = arith.subf %sub3A_162, %while3A_138 : vector<1x128xf32>
        %mul3A_164 = vector.broadcast %sub3A_163 : vector<1x128xf32> to vector<128x128xf32>
        %mul3A_165 = arith.mulf %mul3A_77, %mul3A_164 : vector<128x128xf32>
        %reduce_max3A_166 = arith.constant dense<0xFF800000> : vector<128xf32>
        %reduce_max3A_167 = vector.multi_reduction <maximumf>, %mul3A_165, %reduce_max3A_166 [1] : vector<128x128xf32> to vector<128xf32>
        %broadcast_in_dim3A_168 = vector.shape_cast %reduce_max3A_167 : vector<128xf32> to vector<128x1xf32>
        %sub3A_169 = arith.constant 1.000000e+00 : f32
        %sub3A_170 = vector.broadcast %sub3A_169 : f32 to vector<1x128xf32>
        %sub3A_171 = arith.subf %sub3A_170, %max3A_151 : vector<1x128xf32>
        %sub3A_172 = arith.constant 1.000000e+00 : f32
        %sub3A_173 = vector.broadcast %sub3A_172 : f32 to vector<1x128xf32>
        %sub3A_174 = arith.subf %sub3A_173, %broadcast_in_dim3A_160 : vector<1x128xf32>
        %mul3A_175 = arith.mulf %sub3A_171, %sub3A_174 : vector<1x128xf32>
        %max3A_176 = arith.maximumf %while3A_140, %mul3A_175 : vector<1x128xf32>
        %sub3A_177 = arith.constant 1.000000e+00 : f32
        %sub3A_178 = vector.broadcast %sub3A_177 : f32 to vector<128x1xf32>
        %sub3A_179 = arith.subf %sub3A_178, %max3A_152 : vector<128x1xf32>
        %sub3A_180 = arith.constant 1.000000e+00 : f32
        %sub3A_181 = vector.broadcast %sub3A_180 : f32 to vector<128x1xf32>
        %sub3A_182 = arith.subf %sub3A_181, %broadcast_in_dim3A_168 : vector<128x1xf32>
        %mul3A_183 = arith.mulf %sub3A_179, %sub3A_182 : vector<128x1xf32>
        %max3A_184 = arith.maximumf %while3A_141, %mul3A_183 : vector<128x1xf32>
        scf.yield %max3A_151, %max3A_152, %max3A_176, %max3A_184 : vector<1x128xf32>, vector<128x1xf32>, vector<1x128xf32>, vector<128x1xf32>
      }
      %convert_element_type3A_98 = arith.fptosi %while3A#2 : vector<1x128xf32> to vector<1x128xi32>
      %mul3A_99 = arith.constant 128 : i32
      %mul3A_100 = arith.muli %scan3A_13, %mul3A_99 : i32
      %swap3A_101 = arith.constant 0 : index
      %swap3A_102 = arith.index_cast %mul3A_100 : i32 to index
      %swap3A_103 = vector.load %arg4[%swap3A_101, %swap3A_102] : memref<1x5120xi32, #tpu.memory_space<vmem>>, vector<1x128xi32>
      tpu.vector_store %arg4[%swap3A_101, %swap3A_102], %convert_element_type3A_98 {strides = array<i32>} : memref<1x5120xi32, #tpu.memory_space<vmem>>, vector<1x128xi32>,
      %add3A_104 = arith.constant 1 : i32
      %add3A_105 = arith.addi %scan3A_13, %add3A_104 : i32
      %mul3A_106 = arith.constant 128 : i32
      %mul3A_107 = arith.muli %add3A_105, %mul3A_106 : i32
      %jit3A = arith.constant 1024 : i32
      %div3A_108 = arith.divsi %mul3A_107, %jit3A : i32
      %sign3A = arith.constant 0 : i32
      %sign3A_109 = arith.cmpi sgt, %mul3A_107, %sign3A : i32
      %sign3A_110 = arith.extui %sign3A_109 : i1 to i32
      %sign3A_111 = arith.constant 0 : i32
      %sign3A_112 = arith.cmpi slt, %mul3A_107, %sign3A_111 : i32
      %sign3A_113 = arith.extui %sign3A_112 : i1 to i32
      %sign3A_114 = arith.subi %sign3A_110, %sign3A_113 : i32
      %sign3A_115 = arith.constant 0 : i32
      %sign3A_116 = arith.cmpi sgt, %jit3A, %sign3A_115 : i32
      %sign3A_117 = arith.extui %sign3A_116 : i1 to i32
      %sign3A_118 = arith.constant 0 : i32
      %sign3A_119 = arith.cmpi slt, %jit3A, %sign3A_118 : i32
      %sign3A_120 = arith.extui %sign3A_119 : i1 to i32
      %sign3A_121 = arith.subi %sign3A_117, %sign3A_120 : i32
      %ne3A = arith.cmpi ne, %sign3A_114, %sign3A_121 : i32
      %rem3A = arith.remsi %mul3A_107, %jit3A : i32
      %ne3A_122 = arith.constant 0 : i32
      %ne3A_123 = arith.cmpi ne, %rem3A, %ne3A_122 : i32
      %and3A = arith.andi %ne3A, %ne3A_123 : i1
      %sub3A_124 = arith.constant 1 : i32
      %sub3A_125 = arith.subi %div3A_108, %sub3A_124 : i32
      %select_n3A = arith.select %and3A, %sub3A_125, %div3A_108 : i32
      %while3A_126 = arith.constant 5 : i32
      %while3A_127 = arith.constant 0 : i32
      %while3A_128 = arith.subi %while3A_126, %select_n3A : i32
      %while3A_129 = arith.addi %select_n3A, %while3A_128 : i32
      %while3A_130 = arith.constant 1 : i32
      %while3A_131 = arith.divsi %while3A_128, %while3A_130 : i32
      %while3A_132 = arith.muli %while3A_131, %while3A_130 : i32
      %while3A_133 = arith.addi %select_n3A, %while3A_132 : i32
      %while3A_134 = arith.constant 1 : i32
      %while3A_135 = scf.for %while3A_138 = %select_n3A to %while3A_133 step %while3A_134 iter_args(%while3A_139 = %while3A_127) -> (i32)  : i32 {
        %mul3A_140 = arith.constant 1024 : i32
        %mul3A_141 = arith.muli %while3A_138, %mul3A_140 : i32
        %get3A_142 = arith.constant 0 : index
        %get3A_143 = arith.index_cast %mul3A_141 : i32 to index
        %get3A_144 = vector.load %arg0[%get3A_142, %get3A_143] : memref<1x5120xf32, #tpu.memory_space<vmem>>, vector<1x1024xf32>
        %mul3A_145 = arith.constant 1024 : i32
        %mul3A_146 = arith.muli %while3A_138, %mul3A_145 : i32
        %get3A_147 = arith.constant 0 : index
        %get3A_148 = arith.index_cast %mul3A_146 : i32 to index
        %get3A_149 = vector.load %arg1[%get3A_147, %get3A_148] : memref<1x5120xf32, #tpu.memory_space<vmem>>, vector<1x1024xf32>
        %mul3A_150 = arith.constant 1024 : i32
        %mul3A_151 = arith.muli %while3A_138, %mul3A_150 : i32
        %get3A_152 = arith.constant 0 : index
        %get3A_153 = arith.index_cast %mul3A_151 : i32 to index
        %get3A_154 = vector.load %arg2[%get3A_152, %get3A_153] : memref<1x5120xf32, #tpu.memory_space<vmem>>, vector<1x1024xf32>
        %mul3A_155 = arith.constant 1024 : i32
        %mul3A_156 = arith.muli %while3A_138, %mul3A_155 : i32
        %get3A_157 = arith.constant 0 : index
        %get3A_158 = arith.index_cast %mul3A_156 : i32 to index
        %get3A_159 = vector.load %arg3[%get3A_157, %get3A_158] : memref<1x5120xf32, #tpu.memory_space<vmem>>, vector<1x1024xf32>
        %sub3A_160 = arith.subf %get3A_154, %get3A_144 : vector<1x1024xf32>
        %sub3A_161 = arith.subf %get3A_159, %get3A_149 : vector<1x1024xf32>
        %mul3A_162 = arith.mulf %sub3A_160, %sub3A_161 : vector<1x1024xf32>
        %max3A_163 = vector.broadcast %dot_general3A_32 : vector<128x1xf32> to vector<128x1024xf32>
        %max3A_164 = vector.broadcast %get3A_144 : vector<1x1024xf32> to vector<128x1024xf32>
        %max3A_165 = arith.maximumf %max3A_163, %max3A_164 : vector<128x1024xf32>
        %max3A_166 = vector.broadcast %dot_general3A_34 : vector<128x1xf32> to vector<128x1024xf32>
        %max3A_167 = vector.broadcast %get3A_149 : vector<1x1024xf32> to vector<128x1024xf32>
        %max3A_168 = arith.maximumf %max3A_166, %max3A_167 : vector<128x1024xf32>
        %min3A_169 = vector.broadcast %dot_general3A_36 : vector<128x1xf32> to vector<128x1024xf32>
        %min3A_170 = vector.broadcast %get3A_154 : vector<1x1024xf32> to vector<128x1024xf32>
        %min3A_171 = arith.minimumf %min3A_169, %min3A_170 : vector<128x1024xf32>
        %min3A_172 = vector.broadcast %dot_general3A_38 : vector<128x1xf32> to vector<128x1024xf32>
        %min3A_173 = vector.broadcast %get3A_159 : vector<1x1024xf32> to vector<128x1024xf32>
        %min3A_174 = arith.minimumf %min3A_172, %min3A_173 : vector<128x1024xf32>
        %sub3A_175 = arith.subf %min3A_171, %max3A_165 : vector<128x1024xf32>
        %max3A_176 = arith.constant 0.000000e+00 : f32
        %max3A_177 = vector.broadcast %max3A_176 : f32 to vector<128x1024xf32>
        %max3A_178 = arith.maximumf %max3A_177, %sub3A_175 : vector<128x1024xf32>
        %sub3A_179 = arith.subf %min3A_174, %max3A_168 : vector<128x1024xf32>
        %max3A_180 = arith.constant 0.000000e+00 : f32
        %max3A_181 = vector.broadcast %max3A_180 : f32 to vector<128x1024xf32>
        %max3A_182 = arith.maximumf %max3A_181, %sub3A_179 : vector<128x1024xf32>
        %mul3A_183 = arith.mulf %max3A_178, %max3A_182 : vector<128x1024xf32>
        %add3A_184 = vector.broadcast %mul3A_43 : vector<128x1xf32> to vector<128x1024xf32>
        %add3A_185 = vector.broadcast %mul3A_162 : vector<1x1024xf32> to vector<128x1024xf32>
        %add3A_186 = arith.addf %add3A_184, %add3A_185 : vector<128x1024xf32>
        %sub3A_187 = arith.subf %add3A_186, %mul3A_183 : vector<128x1024xf32>
        %add3A_188 = arith.constant 9.99999971E-10 : f32
        %add3A_189 = vector.broadcast %add3A_188 : f32 to vector<128x1024xf32>
        %add3A_190 = arith.addf %sub3A_187, %add3A_189 : vector<128x1024xf32>
        %div3A_191 = arith.divf %mul3A_183, %add3A_190 : vector<128x1024xf32>
        %gt3A_192 = arith.constant 0.699999988 : f32
        %gt3A_193 = vector.broadcast %gt3A_192 : f32 to vector<128x1024xf32>
        %gt3A_194 = arith.cmpf ogt, %div3A_191, %gt3A_193 : vector<128x1024xf32>
        %convert_element_type3A_195 = arith.extui %gt3A_194 : vector<128x1024xi1> to vector<128x1024xi32>
        %convert_element_type3A_196 = arith.sitofp %convert_element_type3A_195 : vector<128x1024xi32> to vector<128x1024xf32>
        %mul3A_197 = vector.broadcast %while3A#3 : vector<128x1xf32> to vector<128x1024xf32>
        %mul3A_198 = arith.mulf %convert_element_type3A_196, %mul3A_197 : vector<128x1024xf32>
        %reduce_max3A = arith.constant dense<0xFF800000> : vector<1024xf32>
        %reduce_max3A_199 = vector.multi_reduction <maximumf>, %mul3A_198, %reduce_max3A [0] : vector<128x1024xf32> to vector<1024xf32>
        %broadcast_in_dim3A_200 = vector.shape_cast %reduce_max3A_199 : vector<1024xf32> to vector<1x1024xf32>
        %mul3A_201 = arith.constant 1024 : i32
        %mul3A_202 = arith.muli %while3A_138, %mul3A_201 : i32
        %add3A_203 = vector.broadcast %mul3A_202 : i32 to vector<1x1024xi32>
        %add3A_204 = arith.addi %add3A_203, %iota3A_8 : vector<1x1024xi32>
        %add3A_205 = arith.constant 1 : i32
        %add3A_206 = arith.addi %scan3A_13, %add3A_205 : i32
        %mul3A_207 = arith.constant 128 : i32
        %mul3A_208 = arith.muli %add3A_206, %mul3A_207 : i32
        %ge3A_209 = vector.broadcast %mul3A_208 : i32 to vector<1x1024xi32>
        %ge3A_210 = arith.cmpi sge, %add3A_204, %ge3A_209 : vector<1x1024xi32>
        %convert_element_type3A_211 = arith.extui %ge3A_210 : vector<1x1024xi1> to vector<1x1024xi32>
        %convert_element_type3A_212 = arith.sitofp %convert_element_type3A_211 : vector<1x1024xi32> to vector<1x1024xf32>
        %mul3A_213 = arith.constant 1024 : i32
        %mul3A_214 = arith.muli %while3A_138, %mul3A_213 : i32
        %get3A_215 = arith.constant 0 : index
        %get3A_216 = arith.index_cast %mul3A_214 : i32 to index
        %get3A_217 = vector.load %arg5[%get3A_215, %get3A_216] : memref<1x5120xf32, #tpu.memory_space<vmem>>, vector<1x1024xf32>
        %mul3A_218 = arith.mulf %broadcast_in_dim3A_200, %convert_element_type3A_212 : vector<1x1024xf32>
        %max3A_219 = arith.maximumf %get3A_217, %mul3A_218 : vector<1x1024xf32>
        %mul3A_220 = arith.constant 1024 : i32
        %mul3A_221 = arith.muli %while3A_138, %mul3A_220 : i32
        %swap3A_222 = arith.constant 0 : index
        %swap3A_223 = arith.index_cast %mul3A_221 : i32 to index
        %swap3A_224 = vector.load %arg5[%swap3A_222, %swap3A_223] : memref<1x5120xf32, #tpu.memory_space<vmem>>, vector<1x1024xf32>
        tpu.vector_store %arg5[%swap3A_222, %swap3A_223], %max3A_219 {strides = array<i32>} : memref<1x5120xf32, #tpu.memory_space<vmem>>, vector<1x1024xf32>,
        %while3A_225 = arith.constant 0 : i32
        scf.yield %while3A_225 : i32
      }
      %while3A_136 = arith.constant 1 : i32
      %while3A_137 = scf.for %while3A_138 = %while3A_133 to %while3A_129 step %while3A_136 iter_args(%while3A_139 = %while3A_135) -> (i32)  : i32 {
        %mul3A_140 = arith.constant 1024 : i32
        %mul3A_141 = arith.muli %while3A_138, %mul3A_140 : i32
        %get3A_142 = arith.constant 0 : index
        %get3A_143 = arith.index_cast %mul3A_141 : i32 to index
        %get3A_144 = vector.load %arg0[%get3A_142, %get3A_143] : memref<1x5120xf32, #tpu.memory_space<vmem>>, vector<1x1024xf32>
        %mul3A_145 = arith.constant 1024 : i32
        %mul3A_146 = arith.muli %while3A_138, %mul3A_145 : i32
        %get3A_147 = arith.constant 0 : index
        %get3A_148 = arith.index_cast %mul3A_146 : i32 to index
        %get3A_149 = vector.load %arg1[%get3A_147, %get3A_148] : memref<1x5120xf32, #tpu.memory_space<vmem>>, vector<1x1024xf32>
        %mul3A_150 = arith.constant 1024 : i32
        %mul3A_151 = arith.muli %while3A_138, %mul3A_150 : i32
        %get3A_152 = arith.constant 0 : index
        %get3A_153 = arith.index_cast %mul3A_151 : i32 to index
        %get3A_154 = vector.load %arg2[%get3A_152, %get3A_153] : memref<1x5120xf32, #tpu.memory_space<vmem>>, vector<1x1024xf32>
        %mul3A_155 = arith.constant 1024 : i32
        %mul3A_156 = arith.muli %while3A_138, %mul3A_155 : i32
        %get3A_157 = arith.constant 0 : index
        %get3A_158 = arith.index_cast %mul3A_156 : i32 to index
        %get3A_159 = vector.load %arg3[%get3A_157, %get3A_158] : memref<1x5120xf32, #tpu.memory_space<vmem>>, vector<1x1024xf32>
        %sub3A_160 = arith.subf %get3A_154, %get3A_144 : vector<1x1024xf32>
        %sub3A_161 = arith.subf %get3A_159, %get3A_149 : vector<1x1024xf32>
        %mul3A_162 = arith.mulf %sub3A_160, %sub3A_161 : vector<1x1024xf32>
        %max3A_163 = vector.broadcast %dot_general3A_32 : vector<128x1xf32> to vector<128x1024xf32>
        %max3A_164 = vector.broadcast %get3A_144 : vector<1x1024xf32> to vector<128x1024xf32>
        %max3A_165 = arith.maximumf %max3A_163, %max3A_164 : vector<128x1024xf32>
        %max3A_166 = vector.broadcast %dot_general3A_34 : vector<128x1xf32> to vector<128x1024xf32>
        %max3A_167 = vector.broadcast %get3A_149 : vector<1x1024xf32> to vector<128x1024xf32>
        %max3A_168 = arith.maximumf %max3A_166, %max3A_167 : vector<128x1024xf32>
        %min3A_169 = vector.broadcast %dot_general3A_36 : vector<128x1xf32> to vector<128x1024xf32>
        %min3A_170 = vector.broadcast %get3A_154 : vector<1x1024xf32> to vector<128x1024xf32>
        %min3A_171 = arith.minimumf %min3A_169, %min3A_170 : vector<128x1024xf32>
        %min3A_172 = vector.broadcast %dot_general3A_38 : vector<128x1xf32> to vector<128x1024xf32>
        %min3A_173 = vector.broadcast %get3A_159 : vector<1x1024xf32> to vector<128x1024xf32>
        %min3A_174 = arith.minimumf %min3A_172, %min3A_173 : vector<128x1024xf32>
        %sub3A_175 = arith.subf %min3A_171, %max3A_165 : vector<128x1024xf32>
        %max3A_176 = arith.constant 0.000000e+00 : f32
        %max3A_177 = vector.broadcast %max3A_176 : f32 to vector<128x1024xf32>
        %max3A_178 = arith.maximumf %max3A_177, %sub3A_175 : vector<128x1024xf32>
        %sub3A_179 = arith.subf %min3A_174, %max3A_168 : vector<128x1024xf32>
        %max3A_180 = arith.constant 0.000000e+00 : f32
        %max3A_181 = vector.broadcast %max3A_180 : f32 to vector<128x1024xf32>
        %max3A_182 = arith.maximumf %max3A_181, %sub3A_179 : vector<128x1024xf32>
        %mul3A_183 = arith.mulf %max3A_178, %max3A_182 : vector<128x1024xf32>
        %add3A_184 = vector.broadcast %mul3A_43 : vector<128x1xf32> to vector<128x1024xf32>
        %add3A_185 = vector.broadcast %mul3A_162 : vector<1x1024xf32> to vector<128x1024xf32>
        %add3A_186 = arith.addf %add3A_184, %add3A_185 : vector<128x1024xf32>
        %sub3A_187 = arith.subf %add3A_186, %mul3A_183 : vector<128x1024xf32>
        %add3A_188 = arith.constant 9.99999971E-10 : f32
        %add3A_189 = vector.broadcast %add3A_188 : f32 to vector<128x1024xf32>
        %add3A_190 = arith.addf %sub3A_187, %add3A_189 : vector<128x1024xf32>
        %div3A_191 = arith.divf %mul3A_183, %add3A_190 : vector<128x1024xf32>
        %gt3A_192 = arith.constant 0.699999988 : f32
        %gt3A_193 = vector.broadcast %gt3A_192 : f32 to vector<128x1024xf32>
        %gt3A_194 = arith.cmpf ogt, %div3A_191, %gt3A_193 : vector<128x1024xf32>
        %convert_element_type3A_195 = arith.extui %gt3A_194 : vector<128x1024xi1> to vector<128x1024xi32>
        %convert_element_type3A_196 = arith.sitofp %convert_element_type3A_195 : vector<128x1024xi32> to vector<128x1024xf32>
        %mul3A_197 = vector.broadcast %while3A#3 : vector<128x1xf32> to vector<128x1024xf32>
        %mul3A_198 = arith.mulf %convert_element_type3A_196, %mul3A_197 : vector<128x1024xf32>
        %reduce_max3A = arith.constant dense<0xFF800000> : vector<1024xf32>
        %reduce_max3A_199 = vector.multi_reduction <maximumf>, %mul3A_198, %reduce_max3A [0] : vector<128x1024xf32> to vector<1024xf32>
        %broadcast_in_dim3A_200 = vector.shape_cast %reduce_max3A_199 : vector<1024xf32> to vector<1x1024xf32>
        %mul3A_201 = arith.constant 1024 : i32
        %mul3A_202 = arith.muli %while3A_138, %mul3A_201 : i32
        %add3A_203 = vector.broadcast %mul3A_202 : i32 to vector<1x1024xi32>
        %add3A_204 = arith.addi %add3A_203, %iota3A_8 : vector<1x1024xi32>
        %add3A_205 = arith.constant 1 : i32
        %add3A_206 = arith.addi %scan3A_13, %add3A_205 : i32
        %mul3A_207 = arith.constant 128 : i32
        %mul3A_208 = arith.muli %add3A_206, %mul3A_207 : i32
        %ge3A_209 = vector.broadcast %mul3A_208 : i32 to vector<1x1024xi32>
        %ge3A_210 = arith.cmpi sge, %add3A_204, %ge3A_209 : vector<1x1024xi32>
        %convert_element_type3A_211 = arith.extui %ge3A_210 : vector<1x1024xi1> to vector<1x1024xi32>
        %convert_element_type3A_212 = arith.sitofp %convert_element_type3A_211 : vector<1x1024xi32> to vector<1x1024xf32>
        %mul3A_213 = arith.constant 1024 : i32
        %mul3A_214 = arith.muli %while3A_138, %mul3A_213 : i32
        %get3A_215 = arith.constant 0 : index
        %get3A_216 = arith.index_cast %mul3A_214 : i32 to index
        %get3A_217 = vector.load %arg5[%get3A_215, %get3A_216] : memref<1x5120xf32, #tpu.memory_space<vmem>>, vector<1x1024xf32>
        %mul3A_218 = arith.mulf %broadcast_in_dim3A_200, %convert_element_type3A_212 : vector<1x1024xf32>
        %max3A_219 = arith.maximumf %get3A_217, %mul3A_218 : vector<1x1024xf32>
        %mul3A_220 = arith.constant 1024 : i32
        %mul3A_221 = arith.muli %while3A_138, %mul3A_220 : i32
        %swap3A_222 = arith.constant 0 : index
        %swap3A_223 = arith.index_cast %mul3A_221 : i32 to index
        %swap3A_224 = vector.load %arg5[%swap3A_222, %swap3A_223] : memref<1x5120xf32, #tpu.memory_space<vmem>>, vector<1x1024xf32>
        tpu.vector_store %arg5[%swap3A_222, %swap3A_223], %max3A_219 {strides = array<i32>} : memref<1x5120xf32, #tpu.memory_space<vmem>>, vector<1x1024xf32>,
        %while3A_225 = arith.constant 0 : i32
        scf.yield %while3A_225 : i32
      }
    }
    %scan3A_12 = arith.constant 40 : i32
    return
  }
}

module attributes {stable_mosaic.version = 14 : i64} {
  func.func @_head_body(%arg0: memref<384x1024xf32, #tpu.memory_space<vmem>>, %arg1: memref<384x1xf32, #tpu.memory_space<vmem>>, %arg2: memref<1024x1024xf32, #tpu.memory_space<vmem>>, %arg3: memref<1x1024xf32, #tpu.memory_space<vmem>>, %arg4: memref<1024x128xf32, #tpu.memory_space<vmem>>, %arg5: memref<1x128xf32, #tpu.memory_space<vmem>>, %arg6: memref<384x128xf32, #tpu.memory_space<vmem>>, %arg7: memref<384x128xf32, #tpu.memory_space<vmem>>) attributes {dimension_semantics = [], scalar_prefetch = 0 : i64, scratch_operands = 0 : i64, tpu.core_type = #tpu.core_type<tc>} {
    %get3A = arith.constant 0 : index
    %get3A_0 = arith.constant 0 : index
    %get3A_1 = vector.load %arg0[%get3A, %get3A_0] : memref<384x1024xf32, #tpu.memory_space<vmem>>, vector<384x1024xf32>
    %get3A_2 = arith.constant 0 : index
    %get3A_3 = arith.constant 0 : index
    %get3A_4 = vector.load %arg1[%get3A_2, %get3A_3] : memref<384x1xf32, #tpu.memory_space<vmem>>, vector<384x1xf32>
    %mul3A = vector.broadcast %get3A_4 : vector<384x1xf32> to vector<384x1024xf32>
    %mul3A_5 = arith.mulf %get3A_1, %mul3A : vector<384x1024xf32>
    %get3A_6 = arith.constant 0 : index
    %get3A_7 = arith.constant 0 : index
    %get3A_8 = vector.load %arg2[%get3A_6, %get3A_7] : memref<1024x1024xf32, #tpu.memory_space<vmem>>, vector<1024x1024xf32>
    %dot_general3A = arith.constant dense<0.000000e+00> : vector<384x1024xf32>
    %dot_general3A_9 = tpu.matmul %mul3A_5, %get3A_8, %dot_general3A {dimension_numbers = #tpu.dot_dimension_numbers<[1], [0], [0], [1], [0, 0, 1, 1], [], []>, transpose_lhs_hint = false} : vector<384x1024xf32>, vector<1024x1024xf32>, vector<384x1024xf32> -> vector<384x1024xf32>
    %get3A_10 = arith.constant 0 : index
    %get3A_11 = arith.constant 0 : index
    %get3A_12 = vector.load %arg3[%get3A_10, %get3A_11] : memref<1x1024xf32, #tpu.memory_space<vmem>>, vector<1x1024xf32>
    %add3A = vector.broadcast %get3A_12 : vector<1x1024xf32> to vector<384x1024xf32>
    %add3A_13 = arith.addf %dot_general3A_9, %add3A : vector<384x1024xf32>
    %max3A = arith.constant 0.000000e+00 : f32
    %max3A_14 = vector.broadcast %max3A : f32 to vector<384x1024xf32>
    %max3A_15 = arith.maximumf %add3A_13, %max3A_14 : vector<384x1024xf32>
    %get3A_16 = arith.constant 0 : index
    %get3A_17 = arith.constant 0 : index
    %get3A_18 = vector.load %arg4[%get3A_16, %get3A_17] : memref<1024x128xf32, #tpu.memory_space<vmem>>, vector<1024x128xf32>
    %dot_general3A_19 = arith.constant dense<0.000000e+00> : vector<384x128xf32>
    %dot_general3A_20 = tpu.matmul %max3A_15, %get3A_18, %dot_general3A_19 {dimension_numbers = #tpu.dot_dimension_numbers<[1], [0], [0], [1], [0, 0, 1, 1], [], []>, transpose_lhs_hint = false} : vector<384x1024xf32>, vector<1024x128xf32>, vector<384x128xf32> -> vector<384x128xf32>
    %get3A_21 = arith.constant 0 : index
    %get3A_22 = arith.constant 0 : index
    %get3A_23 = vector.load %arg5[%get3A_21, %get3A_22] : memref<1x128xf32, #tpu.memory_space<vmem>>, vector<1x128xf32>
    %add3A_24 = vector.broadcast %get3A_23 : vector<1x128xf32> to vector<384x128xf32>
    %add3A_25 = arith.addf %dot_general3A_20, %add3A_24 : vector<384x128xf32>
    %iota3A = tpu.iota {dimensions = array<i32: 1>} : vector<384x128xi32>
    %lt3A = arith.constant 81 : i32
    %lt3A_26 = vector.broadcast %lt3A : i32 to vector<384x128xi32>
    %lt3A_27 = arith.cmpi slt, %iota3A, %lt3A_26 : vector<384x128xi32>
    %jit3A = arith.constant 0xFF800000 : f32
    %broadcast_in_dim3A = vector.broadcast %jit3A : f32 to vector<384x128xf32>
    %select_n3A = arith.select %lt3A_27, %add3A_25, %broadcast_in_dim3A : vector<384x128xi1>, vector<384x128xf32>
    %reduce_max3A = arith.constant dense<0xFF800000> : vector<384xf32>
    %reduce_max3A_28 = vector.multi_reduction <maximumf>, %select_n3A, %reduce_max3A [1] : vector<384x128xf32> to vector<384xf32>
    %broadcast_in_dim3A_29 = vector.shape_cast %reduce_max3A_28 : vector<384xf32> to vector<384x1xf32>
    %sub3A = vector.broadcast %broadcast_in_dim3A_29 : vector<384x1xf32> to vector<384x128xf32>
    %sub3A_30 = arith.subf %select_n3A, %sub3A : vector<384x128xf32>
    %exp3A = math.exp %sub3A_30 : vector<384x128xf32>
    %reduce_sum3A = arith.constant dense<0.000000e+00> : vector<384xf32>
    %reduce_sum3A_31 = vector.multi_reduction <add>, %exp3A, %reduce_sum3A [1] : vector<384x128xf32> to vector<384xf32>
    %broadcast_in_dim3A_32 = vector.shape_cast %reduce_sum3A_31 : vector<384xf32> to vector<384x1xf32>
    %div3A = vector.broadcast %broadcast_in_dim3A_32 : vector<384x1xf32> to vector<384x128xf32>
    %div3A_33 = arith.divf %exp3A, %div3A : vector<384x128xf32>
    %swap3A = arith.constant 0 : index
    %swap3A_34 = arith.constant 0 : index
    %swap3A_35 = vector.load %arg6[%swap3A, %swap3A_34] : memref<384x128xf32, #tpu.memory_space<vmem>>, vector<384x128xf32>
    tpu.vector_store %arg6[%swap3A, %swap3A_34], %div3A_33 {strides = array<i32>} : memref<384x128xf32, #tpu.memory_space<vmem>>, vector<384x128xf32>,
    %swap3A_36 = arith.constant 0 : index
    %swap3A_37 = arith.constant 0 : index
    %swap3A_38 = vector.load %arg7[%swap3A_36, %swap3A_37] : memref<384x128xf32, #tpu.memory_space<vmem>>, vector<384x128xf32>
    tpu.vector_store %arg7[%swap3A_36, %swap3A_37], %add3A_25 {strides = array<i32>} : memref<384x128xf32, #tpu.memory_space<vmem>>, vector<384x128xf32>,
    return
  }
}

</mosaic_0001>

<sc_bundles>
// kernel: kernel.10.cloned.1.call-start
scs
__scs_entry_jumppad:
0x0: {  	(pc) =	sbr.rel $0x88, $3  }
0x1: {  	(tag) =	ssettag $0x0;
	lr =	simm.s32 $0x1  }
0x2: {  	[smem:$0x3F98] =	sst lr;
	_ =	strace $0xD0000000  }
0x3: {  	_ = 	snop  }
0x4: {  	_ = 	snop  }
0x5: {  	_ = 	snop  }
0x6: {  	_ = 	snop  }
0x7: {  	_ = 	snop  }
__scs_overlays_trampoline_lowered:
0x8: {  	[smem:$0x3FA7] =	sst s0  }
0x9: {  	[smem:$0x3FA8] =	sst s1  }
0xa: {  	[smem:$0x3FA9] =	sst s2  }
0xb: {  	[smem:$0x3FAA] =	sst s3  }
0xc: {  	[smem:$0x3FAB] =	sst s4  }
0xd: {  	[smem:$0x3FAC] =	sst s5  }
0xe: {  	[smem:$0x3FAD] =	sst s6  }
0xf: {  	[smem:$0x3FAE] =	sst s7  }
0x10: {  	[smem:$0x3FAF] =	sst s8  }
0x11: {  	[smem:$0x3FB0] =	sst s9;
	s0 =	simm.s32 @!p0 $0x0  }
0x12: {  	s1 =	sld [smem:$0x3F96];
	s0 =	simm.s32 @p0 $0x1  }
0x13: {  	[smem:$0x3FB1] =	sst s0;
	s0 =	simm.s32 @!p1 $0x0  }
0x14: {  	s2 =	sld [smem:$0x3F95];
	s0 =	simm.s32 @p1 $0x1  }
0x15: {  	[smem:$0x3FB2] =	sst s0;
	s0 =	simm.s32 @!p2 $0x0  }
0x16: {  	s3 =	sld [smem:$0x3FDB];
	s0 =	simm.s32 @p2 $0x1  }
0x17: {  	s4 =	simm.s32 $0x1BF5;
	[smem:$0x3FB4] =	sst s0  }
0x18: {  	s0 =	sld [smem:$0x3F97];
	_ =	swait.ge [sflag:s4], $0x0  }
0x19: {  	s7 =	sld [smem:$0x3F98]  }
0x1a: {  	s8 =	sadd.s32 $0xFFFFE003, lr  }
0x1b: {  	s9 =	sadd.s32 $0xFFFFFEF7, lr;
	s5 =	simm.s32 $0xFFFFFFFF;
	p2 =	slt.u32 s8, $0xFFFFF086  }
0x1c: {  	p1 =	slt.u32 s9, $0xF7A;
	s5 =	simm.s32 @!p2 $0x0  }
0x1d: {  	s5 =	simm.s32 @p1 $0x1;
	p0 =	seq.s32 s7, s2  }
0x1e: {  	s7 =	smul.u32 @!p0 $0xF7A, s2;
	p2 =	seq.s32 @!p0 s5, $0x0  }
0x1f: {  	s9 =	smul.u32 $0xF7A, s1;
	s8 =	simm.s32 @!p0 $0x1BF5;
	p2 =	por !p2, p0  }
0x20: {  	[sflag:s8] =	ssyncset.s32 @!p0 $0xFFFFF086;
	s6 =	sadd.s32 @!p0 s3, s7;
	s7 =	simm.s32 @!p0 $0x108  }
0x21: {  	s3 =	sadd.s32 s3, s9;
	s6 =	sadd.s32 @!p0 $0x88, s6;
	s7 =	simm.s32 @p2 $0x1082  }
0x22: {  	[simem:s7], [sflag:s8] =	dma.local @!p0 [hbm:s6], $0xF7A  }
0x23: {  	s9 =	sor.u32 $0xD0000000, s2;
	s6 =	simm.s32 $0x108;
	_ =	swait.ge @!p0 [sflag:s8], $0x0  }
0x24: {  	s3 =	sadd.s32 $0x88, s3;
	s6 =	simm.s32 @!p1 $0x1082;
	[sflag:s4] =	ssyncset.s32 $0xFFFFF086  }
0x25: {  	[simem:s6], [sflag:s4] =	dma.local [hbm:s3], $0xF7A  }
0x26: {  	[smem:$0x3F98] =	sst s1;
	(tag) =	ssettag s2;
	_ =	strace s9  }
0x27: {  	s1 =	sld [smem:$0x3FA8]  }
0x28: {  	s2 =	sld [smem:$0x3FA9]  }
0x29: {  	s4 =	sld [smem:$0x3FAB]  }
0x2a: {  	p0 =	seq.s32 s5, $0x0;
	s5 =	sld [smem:$0x3FAC]  }
0x2b: {  	s6 =	sld [smem:$0x3FAD]  }
0x2c: {  	s7 =	sld [smem:$0x3FAE]  }
0x2d: {  	s3 =	simm.s32 $0x108;
	s8 =	sld [smem:$0x3FAF]  }
0x2e: {  	s3 =	simm.s32 @!p0 $0x1082;
	s9 =	sld [smem:$0x3FB0]  }
0x2f: {  	lr =	sadd.s32 s0, s3;
	s0 =	sld [smem:$0x3FA7]  }
0x30: {  	s3 =	sld [smem:$0x3FAA]  }
0x31: {  	[smem:$0x3FB3] =	sst s10  }
0x32: {  	s10 =	sld [smem:$0x3FB1];
	_ =	sdelay $0x3  }
0x33: {  	p0 =	seq.s32 s10, $0x1;
	s10 =	sld [smem:$0x3FB3];
	_ =	sdelay $0x3  }
0x34: {  	[smem:$0x3FB3] =	sst s10  }
0x35: {  	s10 =	sld [smem:$0x3FB2];
	_ =	sdelay $0x3  }
0x36: {  	p1 =	seq.s32 s10, $0x1;
	s10 =	sld [smem:$0x3FB3];
	_ =	sdelay $0x3  }
0x37: {  	[smem:$0x3FB3] =	sst s10  }
0x38: {  	s10 =	sld [smem:$0x3FB4]  }
0x39: {  	_ = 	snop;
	(pc) =	sbr.ind lr, $3  }
0x3a: {  	_ = 	snop  }
0x3b: {  	_ = 	snop  }
0x3c: {  	p2 =	seq.s32 s10, $0x1;
	s10 =	sld [smem:$0x3FB3]  }
0x3d: {  	_ =	shalt  }
0x3e: {  	_ =	shalt  }
0x3f: {  	_ =	shalt  }
0x40: {  	_ =	shalt  }
0x41: {  	_ =	shalt  }
0x42: {  	_ =	shalt  }
0x43: {  	_ =	shalt  }
0x44: {  	_ =	shalt  }
0x45: {  	_ =	shalt  }
0x46: {  	_ =	shalt  }
0x47: {  	_ =	shalt  }
0x48: {  	_ =	shalt  }
0x49: {  	_ =	shalt  }
0x4a: {  	_ =	shalt  }
0x4b: {  	_ =	shalt  }
0x4c: {  	_ =	shalt  }
0x4d: {  	_ =	shalt  }
0x4e: {  	_ =	shalt  }
0x4f: {  	_ =	shalt  }
0x50: {  	_ =	shalt  }
0x51: {  	_ =	shalt  }
0x52: {  	_ =	shalt  }
0x53: {  	_ =	shalt  }
0x54: {  	_ =	shalt  }
0x55: {  	_ =	shalt  }
0x56: {  	_ =	shalt  }
0x57: {  	_ =	shalt  }
0x58: {  	_ =	shalt  }
0x59: {  	_ =	shalt  }
0x5a: {  	_ =	shalt  }
0x5b: {  	_ =	shalt  }
0x5c: {  	_ =	shalt  }
0x5d: {  	_ =	shalt  }
0x5e: {  	_ =	shalt  }
0x5f: {  	_ =	shalt  }
0x60: {  	_ =	shalt  }
0x61: {  	_ =	shalt  }
0x62: {  	_ =	shalt  }
0x63: {  	_ =	shalt  }
0x64: {  	_ =	shalt  }
0x65: {  	_ =	shalt  }
0x66: {  	_ =	shalt  }
0x67: {  	_ =	shalt  }
0x68: {  	_ =	shalt  }
0x69: {  	_ =	shalt  }
0x6a: {  	_ =	shalt  }
0x6b: {  	_ =	shalt  }
0x6c: {  	_ =	shalt  }
0x6d: {  	_ =	shalt  }
0x6e: {  	_ =	shalt  }
0x6f: {  	_ =	shalt  }
0x70: {  	_ =	shalt  }
0x71: {  	_ =	shalt  }
0x72: {  	_ =	shalt  }
0x73: {  	_ =	shalt  }
0x74: {  	_ =	shalt  }
0x75: {  	_ =	shalt  }
0x76: {  	_ =	shalt  }
0x77: {  	_ =	shalt  }
0x78: {  	_ =	shalt  }
0x79: {  	_ =	shalt  }
0x7a: {  	_ =	shalt  }
0x7b: {  	_ =	shalt  }
0x7c: {  	_ =	shalt  }
0x7d: {  	_ =	shalt  }
0x7e: {  	_ =	shalt  }
0x7f: {  	_ =	shalt  }
0x80: {  	_ =	shalt  }
0x81: {  	_ =	shalt  }
0x82: {  	_ =	shalt  }
0x83: {  	_ =	shalt  }
0x84: {  	_ =	shalt  }
0x85: {  	_ =	shalt  }
0x86: {  	_ =	shalt  }
0x87: {  	_ =	shalt  }
.Lfunc_end0:
.L_simem_size_0:
called_computation.1_lowered:
.L_overlay_start_0:
0x88: {  	s2 =	sld [smem:$0x3FD9]  }
0x89: {  	s3 =	sld [smem:$0x3FFE];
	_ =	sdelay $0x1  }
0x8a: {  	s1 =	srdreg.scid  }
0x8b: {  	s0 =	sand.u32 $0x1, s1  }
0x8c: {  	s14 =	sshll.u32 s0, $0xA;
	s2 =	sadd.s32 s3, s2  }
0x8d: {  	s2 =	sadd.s32 s2, s14  }
0x8e: {  	[smem:$0x3FBF] =	sst s2  }
0x8f: {  	_ = 	snop  }
0x90: {  	s2 =	sld [smem:$0x3FD0];
	_ =	sdelay $0x2  }
0x91: {  	s4 =	simm.s32 $0xA;
	s5 =	simm.s32 $0x10;
	s15 =	sld [smem:$0x3FC7]  }
0x92: {  	[smem:s5], [sflag:s4] =	dma.local [hbm:s2], $0x1  }
0x93: {  	_ =	swait.eq [sflag:s4], $0x1  }
0x94: {  	s16 =	sld [smem:$0x10];
	[sflag:s4] =	ssyncset.done $0x0  }
0x95: {  	s17 =	sld [smem:$0x11];
	[sflag:s4] =	ssyncadd.s32 $0xFFFFFFFF  }
0x96: {  	s18 =	sld [smem:$0x12];
	(tm) =	ssettm $0x1  }
0x97: {  	s6 =	sld [smem:$0x3FFB];
	_ =	sdelay $0x3  }
0x98: {  	_ =	strace s6  }
0x99: {  	s6 =	sld [smem:$0x3FFC];
	_ =	sdelay $0x3  }
0x9a: {  	_ =	strace s6  }
0x9b: {  	s6 =	sld [smem:$0x3FFD];
	_ =	sdelay $0x3  }
0x9c: {  	_ =	strace s6  }
0x9d: {  	_ =	strace $0x8FFFFFFF  }
0x9e: {  	s19 =	sld [smem:$0x3FDB];
	_ =	sdelay $0x1  }
0x9f: {  	s7 =	simm.s32 $_scs_section_size  }
0xa0: {  	s8 =	simm.s32 $_size__tile_overlayer_lowered;
	s9 =	simm.s32 $_tile_overlayer_lowered  }
0xa1: {  	s22 =	simm.s32 $0x1BFF;
	s21 =	sshll.u32 s9, $0x1;
	s6 =	sadd.s32 s7, s19  }
0xa2: {  	s10 =	simm.s32 $0x0;
	s20 =	sshll.u32 s8, $0x1;
	s8 =	sadd.s32 s21, s6  }
0xa3: {  	[timem:s10], [sflag:s22] =	dma.local [hbm:s8], s20  }
0xa4: {  	_ =	swait.ge [sflag:s22], s20  }
0xa5: {  	s7 =	ssub.s32 $0x0, s20;
	[sflag:s22] =	ssyncset.done $0x0  }
0xa6: {  	[sflag:s22] =	ssyncadd.s32 s7;
	_ =	sdelay $0x1  }
0xa7: {  	s23 =	simm.s32 $0x1B8B  }
0xa8: {  	_ =	swait.ge [sflag:s23], $0x1  }
0xa9: {  	[sflag:s23] =	ssyncset.done $0x0  }
0xaa: {  	s25 =	simm.s32 $0x1B8E;
	s24 =	sld [smem:$0x3FFE];
	[sflag:s23] =	ssyncadd.s32 $0xFFFFFFFF  }
0xab: {  	s26 =	simm.s32 $execute0_lowered;
	[smem:$0x3FD2] =	sst s25  }
0xac: {  	s8 =	sshll.u32 s26, $0x1;
	_ =	strace $0x80000049;
	[dreg:$0x1] =	wrdreg $0xFFFFFFFF  }
0xad: {  	s28 =	simm.s32 $_size_execute0_lowered;
	s6 =	sadd.s32 s6, s8;
	[dreg:$0x0] =	wrdreg $0x0  }
0xae: {  	s8 =	sshll.u32 s28, $0x1;
	[dreg:$0x2] =	wrdreg s6  }
0xaf: {  	[dreg:$0x3] =	wrdreg s8  }
0xb0: {  	[dreg:$0x4] =	wrdreg $0xC0  }
0xb1: {  	_ =	task [dreg:s10], $0x5FFFF  }
0xb2: {  	[dreg:$0x1] =	wrdreg $0xFFFFFFFF  }
0xb3: {  	[dreg:$0x0] =	wrdreg $0x60  }
0xb4: {  	[dreg:$0x2] =	wrdreg s16  }
0xb5: {  	[dreg:$0x3] =	wrdreg s24  }
0xb6: {  	[dreg:$0x4] =	wrdreg s15  }
0xb7: {  	[dreg:$0x5] =	wrdreg s18  }
0xb8: {  	[dreg:$0x6] =	wrdreg s17  }
0xb9: {  	[dreg:$0x7] =	wrdreg $0x82800  }
0xba: {  	[dreg:$0x8] =	wrdreg $0x9  }
0xbb: {  	_ =	task.clear_ibuf [dreg:s10], $0x9FFFF;
	_ =	strace $0x90000049  }
0xbc: {  	s29 =	simm.s32 $0x9;
	_ =	strace $0x8000004B  }
0xbd: {  	_ =	swait.ge [sflag:s29], $0x1  }
0xbe: {  	[sflag:s29] =	ssyncadd.s32 $0xFFFFFFFF  }
0xbf: {  	_ =	strace $0x9000004B  }
0xc0: {  	_ =	sfence  }
0xc1: {  	s30 =	sld [smem:$0x0];
	_ =	sdelay $0x2  }
0xc2: {  	s31 =	sshll.u32 s1, $0xD;
	s1 =	sshrl.u32 s1, $0x2  }
0xc3: {  	s3 =	sand.u32 $0x4000, s31;
	s1 =	sadd.s32 s1, s30  }
0xc4: {  	s0 =	sor.u32 s3, s0;
	s1 =	sshll.u32 s1, $0x11  }
0xc5: {  	s0 =	sor.u32 s1, s0  }
0xc6: {  	s0 =	sadd.s32 $0x8F2B, s0  }
0xc7: {  	[sflag:s0] =	ssyncadd.remote.s32 $0x1  }
0xc8: {  	_ =	sfence.sel $0xFFFF  }
0xc9: {  	[dreg:$0x0] =	wrdreg $0xFFFFFFFF;
	(pc) =	sbr.abs _section_cstart, $3  }
0xca: {  	[dreg:$0x1] =	wrdreg $0xFFFFFFFF  }
0xcb: {  	_ =	task.clear_ibuf [dreg:s10], $0x2FFFF;
	_ =	strace $0x9FFFFFFF  }
0xcc: {  	(tm) =	ssettm $0x7FFFFFFF  }
0xcd: {  	_ =	shalt  }
tec
execute0_lowered:
.L_overlay_start_1:
0x0: {  	(tag) =	ssettag $0x1  }
0x1: {  	s11 =	rddreg [dreg:$0x0];
	s2 =	srdreg.scid  }
0x2: {  	s10 =	rddreg [dreg:$0x1];
	s4 =	sand.u32 $0x1, s2  }
0x3: {  	s1 =	rddreg [dreg:$0x2];
	p1 =	seq.s32 s4, $0x1  }
.Ltmp0:
0x4: {  	s9 =	rddreg [dreg:$0x3];
	(pc) =	sbr.rel @p1 .LBB2_8-.Ltmp0, $4  }
0x5: {  	s8 =	rddreg [dreg:$0x4]  }
0x6: {  	s6 =	rddreg [dreg:$0x5];
	s3 =	simm.s32 $0x0  }
0x7: {  	[smem:$0x7FF] =	sst s3;
	s2 =	stileid.u32  }
0x8: {  	s0 =	rddreg [dreg:$0x6];
	_ =	strace $0x8000004A;
	p0 =	sne.s32 s2, $0x0  }
0x9: {  	s3 =	smul.u32 $0x60, s2  }
.Ltmp1:
0xa: {  	_ = 	snop;
	(pc) =	sbr.rel @p0 .LBB2_7-.Ltmp1, $4  }
0xb: {  	s31 =	smul.u32 $0xC00, s2  }
0xc: {  	s5 =	sadd.s32 $0x100, s1  }
0xd: {  	s4 =	sadd.s32 $0x200, s1;
	s3 =	sshrl.u32 s3, $0x2;
	s2 =	sadd.s32 s31, s10  }
0xe: {  	s7 =	sadd.s32 s3, s6;
	s3 =	sadd.s32 $0x300, s1;
	s2 =	sadd.s32 $0x5200, s2  }
0xf: {  	s18 =	simm.s32 $0x0;
	s22 =	simm.s32 $0x2  }
0x10: {  	[tilespmem:s18], [sflag:$0x2] =	stream.linear.gather [hbm4b:s11+s18], $0x1400, $0x38;
	[tilespmem:$0xE318] =	vst v63  }
0x11: {  	_ =	swait.ge [sflag:s22], $0x1400  }
0x12: {  	[sflag:s22] =	ssyncset.done $0x0  }
0x13: {  	s12 =	sadd.s32 $0x4E00, s10;
	s13 =	simm.s32 $0x1400;
	[sflag:s22] =	ssyncadd.s32 $0xFFFFEC00  }
0x14: {  	[tilespmem:s13], [sflag:$0x2] =	stream.linear.gather [hbm4b:s12+s18], $0x1400, $0x38;
	[tilespmem:$0xE318] =	vst v63  }
0x15: {  	_ =	swait.ge [sflag:s22], $0x1400  }
0x16: {  	[sflag:s22] =	ssyncset.done $0x0  }
0x17: {  	s23 =	sadd.s32 $0x3A00, s10;
	s24 =	simm.s32 $0x2800;
	[sflag:s22] =	ssyncadd.s32 $0xFFFFEC00  }
0x18: {  	[tilespmem:s24], [sflag:$0x2] =	stream.linear.gather [hbm4b:s23+s18], $0x1400, $0x38;
	[tilespmem:$0xE318] =	vst v63  }
0x19: {  	_ =	swait.ge [sflag:s22], $0x1400  }
0x1a: {  	[sflag:s22] =	ssyncset.done $0x0  }
0x1b: {  	s25 =	sadd.s32 $0x3600, s10;
	s26 =	simm.s32 $0x3C00;
	[sflag:s22] =	ssyncadd.s32 $0xFFFFEC00  }
0x1c: {  	[tilespmem:s26], [sflag:$0x2] =	stream.linear.gather [hbm4b:s25+s18], $0x1400, $0x38;
	[tilespmem:$0xE318] =	vst v63  }
0x1d: {  	_ =	swait.ge [sflag:s22], $0x1400  }
0x1e: {  	[sflag:s22] =	ssyncset.done $0x0  }
0x1f: {  	s28 =	sadd.s32 $0x3200, s10;
	s29 =	simm.s32 $0x5000;
	[sflag:s22] =	ssyncadd.s32 $0xFFFFEC00  }
0x20: {  	[tilespmem:s29], [sflag:$0x2] =	stream.linear.gather [hbm4b:s28+s18], $0x1400, $0x38;
	[tilespmem:$0xE318] =	vst v63  }
0x21: {  	_ =	swait.ge [sflag:s22], $0x1400  }
0x22: {  	[sflag:s22] =	ssyncset.done $0x0  }
0x23: {  	s30 =	sadd.s32 $0x2E00, s10;
	s31 =	simm.s32 $0x6400;
	[sflag:s22] =	ssyncadd.s32 $0xFFFFEC00  }
0x24: {  	[tilespmem:s31], [sflag:$0x2] =	stream.linear.gather [hbm4b:s30+s18], $0x1400, $0x38;
	[tilespmem:$0xE318] =	vst v63  }
0x25: {  	_ =	swait.ge [sflag:s22], $0x1400  }
0x26: {  	[sflag:s22] =	ssyncset.done $0x0  }
0x27: {  	v0 =	vimm.s32 $0x0;
	[sflag:s22] =	ssyncadd.s32 $0xFFFFEC00  }
0x28: {  	[tilespmem:$0x7800] =	vst v0  }
0x29: {  	[tilespmem:$0x7810] =	vst v0  }
0x2a: {  	[tilespmem:$0x7820] =	vst v0  }
0x2b: {  	[tilespmem:$0x7830] =	vst v0  }
0x2c: {  	[tilespmem:$0x7840] =	vst v0  }
0x2d: {  	[tilespmem:$0x7850] =	vst v0  }
0x2e: {  	[tilespmem:$0x7860] =	vst v0  }
0x2f: {  	[tilespmem:$0x7870] =	vst v0  }
0x30: {  	[tilespmem:$0x7880] =	vst v0  }
0x31: {  	[tilespmem:$0x7890] =	vst v0  }
0x32: {  	[tilespmem:$0x78A0] =	vst v0  }
0x33: {  	[tilespmem:$0x78B0] =	vst v0  }
0x34: {  	[tilespmem:$0x78C0] =	vst v0  }
0x35: {  	[tilespmem:$0x78D0] =	vst v0  }
0x36: {  	[tilespmem:$0x78E0] =	vst v0  }
0x37: {  	[tilespmem:$0x78F0] =	vst v0  }
0x38: {  	[tilespmem:$0x7900] =	vst v0  }
0x39: {  	[tilespmem:$0x7910] =	vst v0  }
0x3a: {  	[tilespmem:$0x7920] =	vst v0  }
0x3b: {  	[tilespmem:$0x7930] =	vst v0  }
0x3c: {  	[tilespmem:$0x7940] =	vst v0  }
0x3d: {  	[tilespmem:$0x7950] =	vst v0  }
0x3e: {  	s14 =	simm.s32 $0x20;
	s15 =	simm.s32 $0x7800;
	s11 =	sadd.s32 $0x4000, s10;
	[tilespmem:$0x7960] =	vst v0  }
0x3f: {  	s12 =	sadd.s32 $0x3E00, s10;
	s10 =	sadd.s32 $0x4200, s10;
	s13 =	simm.s32 $0x30;
	[tilespmem:$0x7970] =	vst v0;
	v0 =	vlaneseq.u32  }
.LBB2_3:
0x40: {  	v1 =	vld [tilespmem:s14+$0xFFFFFFE0];
	_ =	sdelay $0x4  }
0x41: {  	(xrf0) =	vadd.scan.msk.s32 $0xffff, v1;
	_ =	sdelay $0x5  }
0x42: {  	v2, _, _ =	vpop (xrf0)  }
0x43: {  	v3 =	vadd.s32 s18, v2  }
0x44: {  	vm0 =	vgt.s32 v1, $0x0;
	vm1 =	vlt.s32 v3, $0x12D  }
0x45: {  	vm0 =	vmand vm0, vm1  }
0x46: {  	v1 =	vadd.s32 $0xFFFFFFFF, v3  }
0x47: {  	(v2sf) =	vpush v2, $0xF;
	_ =	sdelay $0x1  }
0x48: {  	s16 =	sadd.s32 $0xFFFFFFD0, s13  }
0x49: {  	v2 =	vor.u32 s16, v0  }
0x4a: {  	[tilespmem:v1+s15+$0x0] =	vst.idx.msk vm0, v2  }
0x4b: {  	v1 =	vld [tilespmem:s14+$0xFFFFFFF0];
	_ =	sdelay $0x4  }
0x4c: {  	(xrf0) =	vadd.scan.msk.s32 $0xffff, v1;
	_ =	sdelay $0x4  }
0x4d: {  	s26 =	spop (v2sf)  }
0x4e: {  	s16 =	sadd.s32 s18, s26;
	v2, _, _ =	vpop (xrf0)  }
0x4f: {  	v3 =	vadd.s32 s16, v2  }
0x50: {  	vm10 =	vgt.s32 v1, $0x0;
	vm11 =	vlt.s32 v3, $0x12D  }
0x51: {  	vm0 =	vmand vm10, vm11  }
0x52: {  	v1 =	vadd.s32 $0xFFFFFFFF, v3  }
0x53: {  	(v2sf) =	vpush v2, $0xF;
	_ =	sdelay $0x1  }
0x54: {  	s17 =	sadd.s32 $0xFFFFFFE0, s13  }
0x55: {  	v2 =	vor.u32 s17, v0  }
0x56: {  	[tilespmem:v1+s15+$0x0] =	vst.idx.msk vm0, v2  }
0x57: {  	v1 =	vld [tilespmem:s14+$0x0];
	_ =	sdelay $0x4  }
0x58: {  	(xrf0) =	vadd.scan.msk.s32 $0xffff, v1;
	_ =	sdelay $0x4  }
0x59: {  	s28 =	spop (v2sf)  }
0x5a: {  	s16 =	sadd.s32 s16, s28;
	v2, _, _ =	vpop (xrf0)  }
0x5b: {  	v3 =	vadd.s32 s16, v2  }
0x5c: {  	vm12 =	vgt.s32 v1, $0x0;
	vm13 =	vlt.s32 v3, $0x12D  }
0x5d: {  	vm0 =	vmand vm12, vm13  }
0x5e: {  	v1 =	vadd.s32 $0xFFFFFFFF, v3;
	_ =	sdelay $0x2  }
0x5f: {  	s29 =	sadd.s32 $0xFFFFFFF0, s13  }
0x60: {  	v3 =	vor.u32 s29, v0  }
0x61: {  	[tilespmem:v1+s15+$0x0] =	vst.idx.msk vm0, v3  }
0x62: {  	v1 =	vld [tilespmem:s14+$0x10];
	_ =	sdelay $0x2  }
0x63: {  	(v2sf) =	vpush v2, $0xF;
	_ =	sdelay $0x1  }
0x64: {  	(xrf0) =	vadd.scan.msk.s32 $0xffff, v1;
	_ =	sdelay $0x5  }
0x65: {  	v2, _, _ =	vpop (xrf0)  }
0x66: {  	(v2sf) =	vpush v2, $0xF;
	_ =	sdelay $0x5  }
0x67: {  	s30 =	spop (v2sf)  }
0x68: {  	s16 =	sadd.s32 s16, s30  }
0x69: {  	v2 =	vadd.s32 s16, v2  }
0x6a: {  	vm14 =	vgt.s32 v1, $0x0;
	vm15 =	vlt.s32 v2, $0x12D  }
0x6b: {  	vm0 =	vmand vm14, vm15  }
0x6c: {  	p1 =	seq.s32 s13, $0x13F0;
	v1 =	vadd.s32 $0xFFFFFFFF, v2  }
.Ltmp2:
0x6d: {  	_ = 	snop;
	(pc) =	sbr.rel @!p1 .LBB2_3-.Ltmp2, $3  }
0x6e: {  	_ =	sdelay $0x1  }
0x6f: {  	v2 =	vor.u32 s13, v0;
	s31 =	spop (v2sf)  }
0x70: {  	s14 =	sadd.s32 $0x40, s14;
	s13 =	sadd.s32 $0x40, s13;
	[tilespmem:v1+s15+$0x0] =	vst.idx.msk vm0, v2;
	s18 =	sadd.s32 s16, s31  }
0x71: {  	s13 =	simm.s32 $0x7800  }
0x72: {  	v3 =	vld [tilespmem:s13+$0x0];
	_ =	sdelay $0x6  }
0x73: {  	s16 =	simm.s32 $0x1400  }
0x74: {  	v3 =	vld.idx.msk [tilespmem:v3+s16+$0x0], $0xffff;
	_ =	sdelay $0x2  }
0x75: {  	s25 =	simm.s32 $0x0;
	v1 =	vlaneseq.u32  }
0x76: {  	v0 =	vmov s18;
	v4 =	vor.u32 s25, v1  }
0x77: {  	s14 =	simm.s32 $0x7980;
	v2 =	vimm.f32 $0.0e+00;
	vm0 =	vlt.s32 v4, v0  }
0x78: {  	s15 =	simm.s32 $0x7B00;
	v4 =	vsel vm0, $0x3F800000, v2;
	[tilespmem:s14+$0x0] =	vst v3  }
0x79: {  	s17 =	simm.s32 $0x2800;
	[tilespmem:s15+$0x0] =	vst v4  }
0x7a: {  	v5 =	vld.idx.msk [tilespmem:v3+s17+$0x0], $0xffff;
	_ =	sdelay $0x4  }
0x7b: {  	v5 =	vmul.f32 v5, v4  }
0x7c: {  	s24 =	simm.s32 $0x7C80  }
0x7d: {  	s18 =	simm.s32 $0x3C00;
	[tilespmem:s24+$0x0] =	vst v5  }
0x7e: {  	v5 =	vld.idx.msk [tilespmem:v3+s18+$0x0], $0xffff;
	_ =	sdelay $0x4  }
0x7f: {  	v5 =	vmul.f32 v5, v4  }
0x80: {  	s23 =	simm.s32 $0x7E00  }
0x81: {  	s19 =	simm.s32 $0x5000;
	[tilespmem:s23+$0x0] =	vst v5  }
0x82: {  	v5 =	vld.idx.msk [tilespmem:v3+s19+$0x0], $0xffff;
	_ =	sdelay $0x4  }
0x83: {  	v5 =	vmul.f32 v5, v4  }
0x84: {  	s22 =	simm.s32 $0x7F80  }
0x85: {  	s20 =	simm.s32 $0x6400;
	[tilespmem:s22+$0x0] =	vst v5  }
0x86: {  	v3 =	vld.idx.msk [tilespmem:v3+s20+$0x0], $0xffff;
	_ =	sdelay $0x4  }
0x87: {  	s21 =	simm.s32 $0x8100;
	s26 =	simm.s32 $0x7F90;
	s25 =	simm.s32 $0x7E10;
	v3 =	vmul.f32 v3, v4  }
0x88: {  	s24 =	simm.s32 $0x7C90;
	s23 =	simm.s32 $0x8110;
	s22 =	simm.s32 $0x10  }
.LBB2_5:
0x89: {  	[tilespmem:s21+$0x0] =	vst v3;
	s13 =	sadd.s32 $0x10, s13;
	s14 =	sadd.s32 $0x10, s14;
	s15 =	sadd.s32 $0x10, s15  }
0x8a: {  	p1 =	sne.s32 s22, $0x170;
	s28 =	smov.u32 s22;
	s22 =	sadd.s32 $0x10, s22;
	v3 =	vld [tilespmem:s13+$0x0]  }
0x8b: {  	s21 =	smov.u32 s23;
	_ =	sdelay $0x6  }
0x8c: {  	v3 =	vld.idx.msk [tilespmem:v3+s16+$0x0], $0xffff;
	_ =	sdelay $0x3  }
0x8d: {  	v4 =	vor.u32 s28, v1  }
0x8e: {  	vm0 =	vlt.s32 v4, v0  }
0x8f: {  	v4 =	vsel vm0, $0x3F800000, v2;
	[tilespmem:s14+$0x0] =	vst v3  }
0x90: {  	[tilespmem:s15+$0x0] =	vst v4  }
0x91: {  	v5 =	vld.idx.msk [tilespmem:v3+s17+$0x0], $0xffff;
	_ =	sdelay $0x5  }
0x92: {  	v5 =	vmul.f32 v5, v4;
	_ =	sdelay $0x1  }
0x93: {  	[tilespmem:s24+$0x0] =	vst v5  }
0x94: {  	v5 =	vld.idx.msk [tilespmem:v3+s18+$0x0], $0xffff;
	_ =	sdelay $0x5  }
0x95: {  	v5 =	vmul.f32 v5, v4;
	_ =	sdelay $0x1  }
0x96: {  	[tilespmem:s25+$0x0] =	vst v5  }
0x97: {  	v5 =	vld.idx.msk [tilespmem:v3+s19+$0x0], $0xffff;
	_ =	sdelay $0x5  }
0x98: {  	v5 =	vmul.f32 v5, v4;
	_ =	sdelay $0x1  }
0x99: {  	[tilespmem:s26+$0x0] =	vst v5  }
0x9a: {  	v3 =	vld.idx.msk [tilespmem:v3+s20+$0x0], $0xffff;
	_ =	sdelay $0x2  }
.Ltmp3:
0x9b: {  	(pc) =	sbr.rel @p1 .LBB2_5-.Ltmp3, $3  }
0x9c: {  	_ =	sdelay $0x1  }
0x9d: {  	s23 =	sadd.s32 $0x10, s23;
	v3 =	vmul.f32 v3, v4  }
0x9e: {  	s24 =	sadd.s32 $0x10, s24;
	s25 =	sadd.s32 $0x10, s25;
	s26 =	sadd.s32 $0x10, s26  }
0x9f: {  	[tilespmem:s21+$0x0] =	vst v3;
	s13 =	simm.s32 $0x0;
	s14 =	simm.s32 $0x7B00;
	s25 =	simm.s32 $0x2  }
0xa0: {  	[hbm4b:s9+s13] =	stream.linear.scatter [tilespmem:s14], [sflag:$0x2], $0x180, $0x38;
	[tilespmem:$0xE318] =	vst v63  }
0xa1: {  	_ =	swait.ge [sflag:s25], $0x180  }
0xa2: {  	[sflag:s25] =	ssyncset.done $0x0  }
0xa3: {  	s26 =	simm.s32 $0x7C80;
	[sflag:s25] =	ssyncadd.s32 $0xFFFFFE80  }
0xa4: {  	[hbm4b:s8+s13] =	stream.linear.scatter [tilespmem:s26], [sflag:$0x2], $0x180, $0x38;
	[tilespmem:$0xE318] =	vst v63  }
0xa5: {  	_ =	swait.ge [sflag:s25], $0x180  }
0xa6: {  	[sflag:s25] =	ssyncset.done $0x0  }
0xa7: {  	s28 =	simm.s32 $0x7E00;
	[sflag:s25] =	ssyncadd.s32 $0xFFFFFE80  }
0xa8: {  	[hbm4b:s12+s13] =	stream.linear.scatter [tilespmem:s28], [sflag:$0x2], $0x180, $0x38;
	[tilespmem:$0xE318] =	vst v63  }
0xa9: {  	_ =	swait.ge [sflag:s25], $0x180  }
0xaa: {  	[sflag:s25] =	ssyncset.done $0x0  }
0xab: {  	s29 =	simm.s32 $0x7F80;
	[sflag:s25] =	ssyncadd.s32 $0xFFFFFE80  }
0xac: {  	[hbm4b:s11+s13] =	stream.linear.scatter [tilespmem:s29], [sflag:$0x2], $0x180, $0x38;
	[tilespmem:$0xE318] =	vst v63  }
0xad: {  	_ =	swait.ge [sflag:s25], $0x180  }
0xae: {  	[sflag:s25] =	ssyncset.done $0x0  }
0xaf: {  	s30 =	simm.s32 $0x8100;
	[sflag:s25] =	ssyncadd.s32 $0xFFFFFE80  }
0xb0: {  	[hbm4b:s10+s13] =	stream.linear.scatter [tilespmem:s30], [sflag:$0x2], $0x180, $0x38;
	[tilespmem:$0xE318] =	vst v63  }
0xb1: {  	_ =	swait.ge [sflag:s25], $0x180  }
0xb2: {  	[sflag:s25] =	ssyncset.done $0x0  }
0xb3: {  	s31 =	simm.s32 $0x7980;
	[sflag:s25] =	ssyncadd.s32 $0xFFFFFE80  }
0xb4: {  	[spmem:s6] =	stream.linear.scatter [tilespmem:s31], [sflag:$0x2], $0x180, $0x38;
	[tilespmem:$0xE318] =	vst v63  }
0xb5: {  	_ =	swait.ge [sflag:s25], $0x180  }
0xb6: {  	[sflag:s25] =	ssyncset.done $0x0  }
0xb7: {  	[sflag:s25] =	ssyncadd.s32 $0xFFFFFE80  }
.LBB2_7:
0xb8: {  	[bflag:$0x0] =	sbarrier.arrive $0xFFFF;
	s6 =	simm.s32 $0x8298;
	s18 =	simm.s32 $0x2  }
0xb9: {  	[tilespmem:s6], [sflag:$0x2] =	stream.linear.gather [spmem:s7], $0x18, $0x38;
	[tilespmem:$0xE318] =	vst v63  }
0xba: {  	_ =	swait.ge [sflag:s18], $0x18  }
0xbb: {  	[sflag:s18] =	ssyncset.done $0x0  }
0xbc: {  	[sflag:s18] =	ssyncadd.s32 $0xFFFFFFE8  }
0xbd: {  	v0 =	vld [tilespmem:$0x8298];
	_ =	sdelay $0x4  }
0xbe: {  	v1 =	vshll.u32 v0, $0x3  }
0xbf: {  	v2 =	vlaneseq.u32;
	v0 =	vand.u32 $0x7, v0;
	v1 =	vand.u32 $0xFFFFFFC0, v1  }
0xc0: {  	v62 =	vand.u32 $0x7, v2;
	v3 =	vshrl.u32 v2, $0x3;
	v0 =	vor.u32 v0, v1  }
0xc1: {  	v3 =	vmul.u32 $0x8, v3;
	v4 =	vperm.xlane v0, v62;
	_ =	sdelay $0x1  }
0xc2: {  	v4 =	vadd.s32 v3, v4;
	_ =	sdelay $0x3  }
0xc3: {  	vm0 =	vmmov $0xffff;
	s19 =	simm.s32 $0x0;
	s8 =	simm.s32 $0x8318  }
0xc4: {  	v2 =	vor.u32 $0x8, v2;
	[tilespmem:s8], [sflag:$0x1] =	stream.indirect_vreg.gather [hbm4b:s1+s19], $0x80, v4, vm0, $0xb8;
	[tilespmem:$0xE318] =	vst v63  }
0xc5: {  	s9 =	simm.s32 $0x8B18;
	v0 =	vperm.xlane v0, v2  }
0xc6: {  	[tilespmem:s9], [sflag:$0x1] =	stream.indirect_vreg.gather [hbm4b:s5+s19], $0x80, v4, vm0, $0xb8;
	[tilespmem:$0xE318] =	vst v63  }
0xc7: {  	s20 =	simm.s32 $0x9318;
	v0 =	vadd.s32 v3, v0  }
0xc8: {  	[tilespmem:s20], [sflag:$0x1] =	stream.indirect_vreg.gather [hbm4b:s4+s19], $0x80, v4, vm0, $0xb8;
	[tilespmem:$0xE318] =	vst v63  }
0xc9: {  	s21 =	simm.s32 $0x9B18  }
0xca: {  	[tilespmem:s21], [sflag:$0x1] =	stream.indirect_vreg.gather [hbm4b:s3+s19], $0x80, v4, vm0, $0xb8;
	[tilespmem:$0xE318] =	vst v63  }
0xcb: {  	s22 =	simm.s32 $0xA318  }
0xcc: {  	[tilespmem:s22], [sflag:$0x1] =	stream.indirect_vreg.gather [hbm4b:s1+s19], $0x80, v0, vm0, $0xb8;
	[tilespmem:$0xE318] =	vst v63  }
0xcd: {  	s23 =	simm.s32 $0xAB18  }
0xce: {  	[tilespmem:s23], [sflag:$0x1] =	stream.indirect_vreg.gather [hbm4b:s5+s19], $0x80, v0, vm0, $0xb8;
	[tilespmem:$0xE318] =	vst v63  }
0xcf: {  	s24 =	simm.s32 $0xB318  }
0xd0: {  	[tilespmem:s24], [sflag:$0x1] =	stream.indirect_vreg.gather [hbm4b:s4+s19], $0x80, v0, vm0, $0xb8;
	[tilespmem:$0xE318] =	vst v63  }
0xd1: {  	s25 =	simm.s32 $0xBB18  }
0xd2: {  	[tilespmem:s25], [sflag:$0x1] =	stream.indirect_vreg.gather [hbm4b:s3+s19], $0x80, v0, vm0, $0xb8;
	[tilespmem:$0xE318] =	vst v63  }
0xd3: {  	v0 =	vld.msk [tilespmem:$0x82A8], $0xff;
	_ =	sdelay $0x4  }
0xd4: {  	v63 =	vshll.u32 v0, $0x3  }
0xd5: {  	v0 =	vand.u32 $0x7, v0;
	v2 =	vand.u32 $0xFFFFFFC0, v63  }
0xd6: {  	v0 =	vor.u32 v0, v2  }
0xd7: {  	v0 =	vperm.xlane v0, v62;
	_ =	sdelay $0x1  }
0xd8: {  	v0 =	vadd.s32 v3, v0;
	_ =	sdelay $0x3  }
0xd9: {  	s26 =	simm.s32 $0xC318  }
0xda: {  	[tilespmem:s26], [sflag:$0x1] =	stream.indirect_vreg.gather [hbm4b:s1+s19], $0x80, v0, vm0, $0xb8;
	[tilespmem:$0xE318] =	vst v63  }
0xdb: {  	s28 =	simm.s32 $0xCB18  }
0xdc: {  	[tilespmem:s28], [sflag:$0x1] =	stream.indirect_vreg.gather [hbm4b:s5+s19], $0x80, v0, vm0, $0xb8;
	[tilespmem:$0xE318] =	vst v63  }
0xdd: {  	s29 =	simm.s32 $0xD318  }
0xde: {  	[tilespmem:s29], [sflag:$0x1] =	stream.indirect_vreg.gather [hbm4b:s4+s19], $0x80, v0, vm0, $0xb8;
	[tilespmem:$0xE318] =	vst v63  }
0xdf: {  	s30 =	simm.s32 $0xDB18;
	s31 =	simm.s32 $0x1  }
0xe0: {  	[tilespmem:s30], [sflag:$0x1] =	stream.indirect_vreg.gather [hbm4b:s3+s19], $0x80, v0, vm0, $0xb8;
	[tilespmem:$0xE318] =	vst v63  }
0xe1: {  	_ =	swait.ge [sflag:s31], $0x6000  }
0xe2: {  	[sflag:s31] =	ssyncset.done $0x0  }
0xe3: {  	[sflag:s31] =	ssyncadd.s32 $0xFFFFA000  }
0xe4: {  	[hbm4b:s2+s19] =	stream.linear.scatter [tilespmem:s8], [sflag:$0x2], $0x6000, $0x38;
	[tilespmem:$0xE318] =	vst v63  }
0xe5: {  	_ =	swait.ge [sflag:s18], $0x6000  }
0xe6: {  	[sflag:s18] =	ssyncset.done $0x0  }
0xe7: {  	[sflag:s18] =	ssyncadd.s32 $0xFFFFA000  }
.LBB2_8:
0xe8: {  	_ =	sfence.sel $0x180000  }
0xe9: {  	[bflag:$0x0] =	sbarrier.arrive $0xFFFF  }
0xea: {  	_ =	strace $0x9000004A  }
0xeb: {  	s0 =	sadd.s32 @!p0 $0x100000, s0;
	[bflag:$0x2] =	sbarrier.arrive $0xFFFF  }
0xec: {  	[sflag:s0] =	ssyncadd.tile.s32 @!p0 $0x1;
	_ =	shalt  }
.Lfunc_end2:
_tile_overlayer_lowered:
.L_overlay_start_2:
0xed: {  	(tag) =	ssettag $0x2  }
0xee: {  	s0 =	rddreg [dreg:$0x0];
	s2 =	stileid.u32  }
0xef: {  	s1 =	rddreg [dreg:$0x1];
	p0 =	sne.s32 s2, $0x0  }
0xf0: {  	s3 =	rddreg [dreg:$0x2];
	[bflag:$0x3] =	sbarrier.arrive $0xFFFF;
	s2 =	simm.s32 @!p0 $0x1C02  }
0xf1: {  	[timem:s3], [sflag:s2] =	dma.local @!p0 [hbm:s0], s1  }
0xf2: {  	s0 =	simm.s32 @!p0 $0x2  }
0xf3: {  	_ =	swait.ge @!p0 [sflag:s0], s1  }
0xf4: {  	s1 =	ssub.s32 @!p0 $0x0, s1;
	[sflag:s0] =	ssyncset.done @!p0 $0x0  }
0xf5: {  	[sflag:s0] =	ssyncadd.s32 @!p0 s1  }
0xf6: {  	[bflag:$0x3] =	sbarrier.arrive $0xFFFF  }
0xf7: {  	_ =	shalt  }

// kernel: kernel.7.cloned.1.call-start
scs
__scs_entry_jumppad:
0x0: {  	(pc) =	sbr.rel $0x88, $3  }
0x1: {  	(tag) =	ssettag $0x0;
	lr =	simm.s32 $0x1  }
0x2: {  	[smem:$0x3F98] =	sst lr;
	_ =	strace $0xD0000000  }
0x3: {  	_ = 	snop  }
0x4: {  	_ = 	snop  }
0x5: {  	_ = 	snop  }
0x6: {  	_ = 	snop  }
0x7: {  	_ = 	snop  }
__scs_overlays_trampoline_lowered:
0x8: {  	[smem:$0x3FA7] =	sst s0  }
0x9: {  	[smem:$0x3FA8] =	sst s1  }
0xa: {  	[smem:$0x3FA9] =	sst s2  }
0xb: {  	[smem:$0x3FAA] =	sst s3  }
0xc: {  	[smem:$0x3FAB] =	sst s4  }
0xd: {  	[smem:$0x3FAC] =	sst s5  }
0xe: {  	[smem:$0x3FAD] =	sst s6  }
0xf: {  	[smem:$0x3FAE] =	sst s7  }
0x10: {  	[smem:$0x3FAF] =	sst s8  }
0x11: {  	[smem:$0x3FB0] =	sst s9;
	s0 =	simm.s32 @!p0 $0x0  }
0x12: {  	s1 =	sld [smem:$0x3F96];
	s0 =	simm.s32 @p0 $0x1  }
0x13: {  	[smem:$0x3FB1] =	sst s0;
	s0 =	simm.s32 @!p1 $0x0  }
0x14: {  	s2 =	sld [smem:$0x3F95];
	s0 =	simm.s32 @p1 $0x1  }
0x15: {  	[smem:$0x3FB2] =	sst s0;
	s0 =	simm.s32 @!p2 $0x0  }
0x16: {  	s3 =	sld [smem:$0x3FDB];
	s0 =	simm.s32 @p2 $0x1  }
0x17: {  	s4 =	simm.s32 $0x1BF5;
	[smem:$0x3FB4] =	sst s0  }
0x18: {  	s0 =	sld [smem:$0x3F97];
	_ =	swait.ge [sflag:s4], $0x0  }
0x19: {  	s7 =	sld [smem:$0x3F98]  }
0x1a: {  	s8 =	sadd.s32 $0xFFFFE003, lr  }
0x1b: {  	s9 =	sadd.s32 $0xFFFFFEF7, lr;
	s5 =	simm.s32 $0xFFFFFFFF;
	p2 =	slt.u32 s8, $0xFFFFF086  }
0x1c: {  	p1 =	slt.u32 s9, $0xF7A;
	s5 =	simm.s32 @!p2 $0x0  }
0x1d: {  	s5 =	simm.s32 @p1 $0x1;
	p0 =	seq.s32 s7, s2  }
0x1e: {  	s7 =	smul.u32 @!p0 $0xF7A, s2;
	p2 =	seq.s32 @!p0 s5, $0x0  }
0x1f: {  	s9 =	smul.u32 $0xF7A, s1;
	s8 =	simm.s32 @!p0 $0x1BF5;
	p2 =	por !p2, p0  }
0x20: {  	[sflag:s8] =	ssyncset.s32 @!p0 $0xFFFFF086;
	s6 =	sadd.s32 @!p0 s3, s7;
	s7 =	simm.s32 @!p0 $0x108  }
0x21: {  	s3 =	sadd.s32 s3, s9;
	s6 =	sadd.s32 @!p0 $0x88, s6;
	s7 =	simm.s32 @p2 $0x1082  }
0x22: {  	[simem:s7], [sflag:s8] =	dma.local @!p0 [hbm:s6], $0xF7A  }
0x23: {  	s9 =	sor.u32 $0xD0000000, s2;
	s6 =	simm.s32 $0x108;
	_ =	swait.ge @!p0 [sflag:s8], $0x0  }
0x24: {  	s3 =	sadd.s32 $0x88, s3;
	s6 =	simm.s32 @!p1 $0x1082;
	[sflag:s4] =	ssyncset.s32 $0xFFFFF086  }
0x25: {  	[simem:s6], [sflag:s4] =	dma.local [hbm:s3], $0xF7A  }
0x26: {  	[smem:$0x3F98] =	sst s1;
	(tag) =	ssettag s2;
	_ =	strace s9  }
0x27: {  	s1 =	sld [smem:$0x3FA8]  }
0x28: {  	s2 =	sld [smem:$0x3FA9]  }
0x29: {  	s4 =	sld [smem:$0x3FAB]  }
0x2a: {  	p0 =	seq.s32 s5, $0x0;
	s5 =	sld [smem:$0x3FAC]  }
0x2b: {  	s6 =	sld [smem:$0x3FAD]  }
0x2c: {  	s7 =	sld [smem:$0x3FAE]  }
0x2d: {  	s3 =	simm.s32 $0x108;
	s8 =	sld [smem:$0x3FAF]  }
0x2e: {  	s3 =	simm.s32 @!p0 $0x1082;
	s9 =	sld [smem:$0x3FB0]  }
0x2f: {  	lr =	sadd.s32 s0, s3;
	s0 =	sld [smem:$0x3FA7]  }
0x30: {  	s3 =	sld [smem:$0x3FAA]  }
0x31: {  	[smem:$0x3FB3] =	sst s10  }
0x32: {  	s10 =	sld [smem:$0x3FB1];
	_ =	sdelay $0x3  }
0x33: {  	p0 =	seq.s32 s10, $0x1;
	s10 =	sld [smem:$0x3FB3];
	_ =	sdelay $0x3  }
0x34: {  	[smem:$0x3FB3] =	sst s10  }
0x35: {  	s10 =	sld [smem:$0x3FB2];
	_ =	sdelay $0x3  }
0x36: {  	p1 =	seq.s32 s10, $0x1;
	s10 =	sld [smem:$0x3FB3];
	_ =	sdelay $0x3  }
0x37: {  	[smem:$0x3FB3] =	sst s10  }
0x38: {  	s10 =	sld [smem:$0x3FB4]  }
0x39: {  	_ = 	snop;
	(pc) =	sbr.ind lr, $3  }
0x3a: {  	_ = 	snop  }
0x3b: {  	_ = 	snop  }
0x3c: {  	p2 =	seq.s32 s10, $0x1;
	s10 =	sld [smem:$0x3FB3]  }
0x3d: {  	_ =	shalt  }
0x3e: {  	_ =	shalt  }
0x3f: {  	_ =	shalt  }
0x40: {  	_ =	shalt  }
0x41: {  	_ =	shalt  }
0x42: {  	_ =	shalt  }
0x43: {  	_ =	shalt  }
0x44: {  	_ =	shalt  }
0x45: {  	_ =	shalt  }
0x46: {  	_ =	shalt  }
0x47: {  	_ =	shalt  }
0x48: {  	_ =	shalt  }
0x49: {  	_ =	shalt  }
0x4a: {  	_ =	shalt  }
0x4b: {  	_ =	shalt  }
0x4c: {  	_ =	shalt  }
0x4d: {  	_ =	shalt  }
0x4e: {  	_ =	shalt  }
0x4f: {  	_ =	shalt  }
0x50: {  	_ =	shalt  }
0x51: {  	_ =	shalt  }
0x52: {  	_ =	shalt  }
0x53: {  	_ =	shalt  }
0x54: {  	_ =	shalt  }
0x55: {  	_ =	shalt  }
0x56: {  	_ =	shalt  }
0x57: {  	_ =	shalt  }
0x58: {  	_ =	shalt  }
0x59: {  	_ =	shalt  }
0x5a: {  	_ =	shalt  }
0x5b: {  	_ =	shalt  }
0x5c: {  	_ =	shalt  }
0x5d: {  	_ =	shalt  }
0x5e: {  	_ =	shalt  }
0x5f: {  	_ =	shalt  }
0x60: {  	_ =	shalt  }
0x61: {  	_ =	shalt  }
0x62: {  	_ =	shalt  }
0x63: {  	_ =	shalt  }
0x64: {  	_ =	shalt  }
0x65: {  	_ =	shalt  }
0x66: {  	_ =	shalt  }
0x67: {  	_ =	shalt  }
0x68: {  	_ =	shalt  }
0x69: {  	_ =	shalt  }
0x6a: {  	_ =	shalt  }
0x6b: {  	_ =	shalt  }
0x6c: {  	_ =	shalt  }
0x6d: {  	_ =	shalt  }
0x6e: {  	_ =	shalt  }
0x6f: {  	_ =	shalt  }
0x70: {  	_ =	shalt  }
0x71: {  	_ =	shalt  }
0x72: {  	_ =	shalt  }
0x73: {  	_ =	shalt  }
0x74: {  	_ =	shalt  }
0x75: {  	_ =	shalt  }
0x76: {  	_ =	shalt  }
0x77: {  	_ =	shalt  }
0x78: {  	_ =	shalt  }
0x79: {  	_ =	shalt  }
0x7a: {  	_ =	shalt  }
0x7b: {  	_ =	shalt  }
0x7c: {  	_ =	shalt  }
0x7d: {  	_ =	shalt  }
0x7e: {  	_ =	shalt  }
0x7f: {  	_ =	shalt  }
0x80: {  	_ =	shalt  }
0x81: {  	_ =	shalt  }
0x82: {  	_ =	shalt  }
0x83: {  	_ =	shalt  }
0x84: {  	_ =	shalt  }
0x85: {  	_ =	shalt  }
0x86: {  	_ =	shalt  }
0x87: {  	_ =	shalt  }
.Lfunc_end0:
.L_simem_size_0:
called_computation_lowered:
.L_overlay_start_0:
0x88: {  	s2 =	sld [smem:$0x3FD9]  }
0x89: {  	s3 =	sld [smem:$0x3FFE];
	_ =	sdelay $0x1  }
0x8a: {  	s1 =	srdreg.scid  }
0x8b: {  	s0 =	sand.u32 $0x1, s1  }
0x8c: {  	s14 =	sshll.u32 s0, $0xA;
	s2 =	sadd.s32 s3, s2  }
0x8d: {  	s2 =	sadd.s32 s2, s14  }
0x8e: {  	[smem:$0x3FBF] =	sst s2  }
0x8f: {  	_ = 	snop  }
0x90: {  	s2 =	sld [smem:$0x3FD0];
	_ =	sdelay $0x2  }
0x91: {  	s15 =	simm.s32 $0xA;
	s4 =	simm.s32 $0x10  }
0x92: {  	[smem:s4], [sflag:s15] =	dma.local [hbm:s2], $0x1  }
0x93: {  	_ =	swait.eq [sflag:s15], $0x1  }
0x94: {  	[sflag:s15] =	ssyncset.done $0x0  }
0x95: {  	[sflag:s15] =	ssyncadd.s32 $0xFFFFFFFF  }
0x96: {  	s16 =	sld [smem:$0x10];
	(tm) =	ssettm $0x1  }
0x97: {  	s17 =	sld [smem:$0x3FFB];
	_ =	sdelay $0x3  }
0x98: {  	_ =	strace s17  }
0x99: {  	s3 =	sld [smem:$0x3FFC];
	_ =	sdelay $0x3  }
0x9a: {  	_ =	strace s3  }
0x9b: {  	s3 =	sld [smem:$0x3FFD];
	_ =	sdelay $0x3  }
0x9c: {  	_ =	strace s3  }
0x9d: {  	_ =	strace $0x8FFFFFFF  }
0x9e: {  	s18 =	sld [smem:$0x3FDB];
	_ =	sdelay $0x1  }
0x9f: {  	s19 =	simm.s32 $_scs_section_size  }
0xa0: {  	s5 =	simm.s32 $_size__tile_overlayer_lowered;
	s6 =	simm.s32 $_tile_overlayer_lowered  }
0xa1: {  	s22 =	simm.s32 $0x1BFF;
	s21 =	sshll.u32 s6, $0x1;
	s3 =	sadd.s32 s19, s18  }
0xa2: {  	s7 =	simm.s32 $0x0;
	s20 =	sshll.u32 s5, $0x1;
	s5 =	sadd.s32 s21, s3  }
0xa3: {  	[timem:s7], [sflag:s22] =	dma.local [hbm:s5], s20  }
0xa4: {  	_ =	swait.ge [sflag:s22], s20  }
0xa5: {  	s4 =	ssub.s32 $0x0, s20;
	[sflag:s22] =	ssyncset.done $0x0  }
0xa6: {  	[sflag:s22] =	ssyncadd.s32 s4;
	_ =	sdelay $0x1  }
0xa7: {  	s23 =	simm.s32 $0x1B8B  }
0xa8: {  	_ =	swait.ge [sflag:s23], $0x1  }
0xa9: {  	[sflag:s23] =	ssyncset.done $0x0  }
0xaa: {  	s25 =	simm.s32 $0x1B8E;
	s24 =	sld [smem:$0x3FFE];
	[sflag:s23] =	ssyncadd.s32 $0xFFFFFFFF  }
0xab: {  	s26 =	simm.s32 $execute0_lowered;
	[smem:$0x3FD2] =	sst s25  }
0xac: {  	s5 =	sshll.u32 s26, $0x1;
	_ =	strace $0x80000046;
	[dreg:$0x1] =	wrdreg $0xFFFFFFFF  }
0xad: {  	s28 =	simm.s32 $_size_execute0_lowered;
	s3 =	sadd.s32 s3, s5;
	[dreg:$0x0] =	wrdreg $0x0  }
0xae: {  	s5 =	sshll.u32 s28, $0x1;
	[dreg:$0x2] =	wrdreg s3  }
0xaf: {  	[dreg:$0x3] =	wrdreg s5  }
0xb0: {  	[dreg:$0x4] =	wrdreg $0xC0  }
0xb1: {  	_ =	task [dreg:s7], $0x5FFFF  }
0xb2: {  	[dreg:$0x1] =	wrdreg $0xFFFFFFFF  }
0xb3: {  	[dreg:$0x0] =	wrdreg $0x60  }
0xb4: {  	[dreg:$0x2] =	wrdreg s16  }
0xb5: {  	[dreg:$0x3] =	wrdreg s24  }
0xb6: {  	[dreg:$0x4] =	wrdreg $0x9  }
0xb7: {  	_ =	task.clear_ibuf [dreg:s7], $0x5FFFF;
	_ =	strace $0x90000046  }
0xb8: {  	s29 =	simm.s32 $0x9;
	_ =	strace $0x80000048  }
0xb9: {  	_ =	swait.ge [sflag:s29], $0x1  }
0xba: {  	[sflag:s29] =	ssyncadd.s32 $0xFFFFFFFF  }
0xbb: {  	_ =	strace $0x90000048  }
0xbc: {  	_ =	sfence  }
0xbd: {  	s30 =	sld [smem:$0x0];
	_ =	sdelay $0x2  }
0xbe: {  	s31 =	sshll.u32 s1, $0xD;
	s1 =	sshrl.u32 s1, $0x2  }
0xbf: {  	s3 =	sand.u32 $0x4000, s31;
	s1 =	sadd.s32 s1, s30  }
0xc0: {  	s0 =	sor.u32 s3, s0;
	s1 =	sshll.u32 s1, $0x11  }
0xc1: {  	s0 =	sor.u32 s1, s0  }
0xc2: {  	s0 =	sadd.s32 $0x8F2B, s0  }
0xc3: {  	[sflag:s0] =	ssyncadd.remote.s32 $0x1  }
0xc4: {  	_ =	sfence.sel $0xFFFF  }
0xc5: {  	[dreg:$0x0] =	wrdreg $0xFFFFFFFF;
	(pc) =	sbr.abs _section_cstart, $3  }
0xc6: {  	[dreg:$0x1] =	wrdreg $0xFFFFFFFF  }
0xc7: {  	_ =	task.clear_ibuf [dreg:s7], $0x2FFFF;
	_ =	strace $0x9FFFFFFF  }
0xc8: {  	(tm) =	ssettm $0x7FFFFFFF  }
0xc9: {  	_ =	shalt  }
tec
execute0_lowered:
.L_overlay_start_1:
0x0: {  	(tag) =	ssettag $0x1  }
0x1: {  	s2 =	rddreg [dreg:$0x0]  }
0x2: {  	s9 =	rddreg [dreg:$0x1]  }
0x3: {  	s0 =	rddreg [dreg:$0x2]  }
0x4: {  	s4 =	srdreg.scid;
	s1 =	stileid.u32;
	s3 =	simm.s32 $0x0  }
0x5: {  	s16 =	simm.s32 $0x1;
	s17 =	simm.s32 $0x1400;
	s18 =	simm.s32 $0x2800  }
0x6: {  	s19 =	simm.s32 $0x3C00;
	s20 =	simm.s32 $0x5000;
	s21 =	simm.s32 $0x6400  }
0x7: {  	s22 =	simm.s32 $0x7800;
	s23 =	simm.s32 $0x7900;
	s24 =	simm.s32 $0x7A00  }
0x8: {  	s25 =	simm.s32 $0x7B00;
	s7 =	sand.u32 $0x1, s4;
	s31 =	sshll.u32 s1, $0x1  }
0x9: {  	s26 =	simm.s32 $0x0;
	[smem:$0x7FF] =	sst s3;
	s4 =	sor.u32 s7, s31  }
0xa: {  	s5 =	sadd.s32 $0x3A00, s9;
	s10 =	ssub.s32 $0x2, s7;
	s4 =	smul.u32 $0xA0, s4  }
0xb: {  	s6 =	sadd.s32 $0x3600, s9;
	s8 =	sadd.s32 $0x2E00, s9;
	s12 =	sshrl.u32 s10, $0x1  }
0xc: {  	_ =	strace $0x80000047;
	s15 =	ssub.s32 s10, s12;
	s11 =	sshrl.u32 s4, $0x3  }
0xd: {  	s7 =	sadd.s32 $0x3200, s9;
	s15 =	smax.u32 s15, $0x1;
	s14 =	sadd.s32 s11, s9  }
0xe: {  	s9 =	sadd.s32 $0x6400, s4;
	s10 =	sadd.s32 $0x4E00, s14;
	s11 =	sadd.s32 $0x3E00, s14  }
0xf: {  	v0 =	vlaneseq.u32;
	s12 =	sadd.s32 $0x4200, s14;
	s13 =	sadd.s32 $0x4600, s14;
	s14 =	sadd.s32 $0x4A00, s14  }
.LBB2_1:
0x10: {  	[tilespmem:s3], [sflag:$0x1] =	stream.linear.gather [hbm4b:s2+s3], $0x1400, $0x38;
	[tilespmem:$0x7C00] =	vst v63  }
0x11: {  	_ =	swait.ge [sflag:s16], $0x1400  }
0x12: {  	[sflag:s16] =	ssyncset.done $0x0  }
0x13: {  	[sflag:s16] =	ssyncadd.s32 $0xFFFFEC00  }
0x14: {  	[tilespmem:s17], [sflag:$0x1] =	stream.linear.gather [hbm4b:s5+s3], $0x1400, $0x38;
	[tilespmem:$0x7C00] =	vst v63  }
0x15: {  	_ =	swait.ge [sflag:s16], $0x1400  }
0x16: {  	[sflag:s16] =	ssyncset.done $0x0  }
0x17: {  	[sflag:s16] =	ssyncadd.s32 $0xFFFFEC00  }
0x18: {  	[tilespmem:s18], [sflag:$0x1] =	stream.linear.gather [hbm4b:s6+s3], $0x1400, $0x38;
	[tilespmem:$0x7C00] =	vst v63  }
0x19: {  	_ =	swait.ge [sflag:s16], $0x1400  }
0x1a: {  	[sflag:s16] =	ssyncset.done $0x0  }
0x1b: {  	[sflag:s16] =	ssyncadd.s32 $0xFFFFEC00  }
0x1c: {  	[tilespmem:s19], [sflag:$0x1] =	stream.linear.gather [hbm4b:s7+s3], $0x1400, $0x38;
	[tilespmem:$0x7C00] =	vst v63  }
0x1d: {  	_ =	swait.ge [sflag:s16], $0x1400  }
0x1e: {  	[sflag:s16] =	ssyncset.done $0x0  }
0x1f: {  	[sflag:s16] =	ssyncadd.s32 $0xFFFFEC00  }
0x20: {  	[tilespmem:s20], [sflag:$0x1] =	stream.linear.gather [hbm4b:s8+s3], $0x1400, $0x38;
	[tilespmem:$0x7C00] =	vst v63  }
0x21: {  	_ =	swait.ge [sflag:s16], $0x1400  }
0x22: {  	[sflag:s16] =	ssyncset.done $0x0  }
0x23: {  	s28 =	simm.s32 $0x30;
	s29 =	simm.s32 $0x20;
	[sflag:s16] =	ssyncadd.s32 $0xFFFFEC00  }
.LBB2_2:
0x24: {  	v1 =	vld [tilespmem:s29+$0xFFFFFFE0];
	_ =	sdelay $0x5  }
0x25: {  	s30 =	sadd.s32 $0xFFFFFFD0, s28  }
0x26: {  	v2 =	vor.u32 s30, v0  }
0x27: {  	[tilespmem:v1+s21+$0x0] =	vst.idx.msk $0xffff, v2  }
0x28: {  	v1 =	vld [tilespmem:s29+$0xFFFFFFF0];
	_ =	sdelay $0x5  }
0x29: {  	s31 =	sadd.s32 $0xFFFFFFE0, s28  }
0x2a: {  	v2 =	vor.u32 s31, v0  }
0x2b: {  	[tilespmem:v1+s21+$0x0] =	vst.idx.msk $0xffff, v2  }
0x2c: {  	v1 =	vld [tilespmem:s29+$0x0];
	_ =	sdelay $0x5  }
0x2d: {  	s31 =	sadd.s32 $0xFFFFFFF0, s28  }
0x2e: {  	v2 =	vor.u32 s31, v0  }
0x2f: {  	[tilespmem:v1+s21+$0x0] =	vst.idx.msk $0xffff, v2  }
0x30: {  	v1 =	vld [tilespmem:s29+$0x10];
	_ =	sdelay $0x2  }
0x31: {  	p0 =	sne.s32 s28, $0x13F0  }
.Ltmp0:
0x32: {  	_ = 	snop;
	(pc) =	sbr.rel @p0 .LBB2_2-.Ltmp0, $3  }
0x33: {  	_ =	sdelay $0x1  }
0x34: {  	v2 =	vor.u32 s28, v0  }
0x35: {  	s28 =	sadd.s32 $0x40, s28;
	s29 =	sadd.s32 $0x40, s29;
	[tilespmem:v1+s21+$0x0] =	vst.idx.msk $0xffff, v2  }
0x36: {  	v1 =	vld [tilespmem:s4+$0x6400];
	_ =	sdelay $0x7  }
0x37: {  	v2 =	vld.idx.msk [tilespmem:v1+s17+$0x0], $0xffff;
	_ =	sdelay $0x4  }
0x38: {  	[tilespmem:$0x7800] =	vst v2  }
0x39: {  	v2 =	vld.idx.msk [tilespmem:v1+s18+$0x0], $0xffff;
	_ =	sdelay $0x4  }
0x3a: {  	[tilespmem:$0x7900] =	vst v2  }
0x3b: {  	v2 =	vld.idx.msk [tilespmem:v1+s19+$0x0], $0xffff;
	_ =	sdelay $0x4  }
0x3c: {  	[tilespmem:$0x7A00] =	vst v2  }
0x3d: {  	v1 =	vld.idx.msk [tilespmem:v1+s20+$0x0], $0xffff;
	_ =	sdelay $0x4  }
0x3e: {  	[tilespmem:$0x7B00] =	vst v1  }
0x3f: {  	v1 =	vld [tilespmem:s4+$0x6410];
	_ =	sdelay $0x7  }
0x40: {  	v2 =	vld.idx.msk [tilespmem:v1+s17+$0x0], $0xffff;
	_ =	sdelay $0x4  }
0x41: {  	[tilespmem:$0x7810] =	vst v2  }
0x42: {  	v2 =	vld.idx.msk [tilespmem:v1+s18+$0x0], $0xffff;
	_ =	sdelay $0x4  }
0x43: {  	[tilespmem:$0x7910] =	vst v2  }
0x44: {  	v2 =	vld.idx.msk [tilespmem:v1+s19+$0x0], $0xffff;
	_ =	sdelay $0x4  }
0x45: {  	[tilespmem:$0x7A10] =	vst v2  }
0x46: {  	v1 =	vld.idx.msk [tilespmem:v1+s20+$0x0], $0xffff;
	_ =	sdelay $0x4  }
0x47: {  	[tilespmem:$0x7B10] =	vst v1  }
0x48: {  	v1 =	vld [tilespmem:s4+$0x6420];
	_ =	sdelay $0x7  }
0x49: {  	v2 =	vld.idx.msk [tilespmem:v1+s17+$0x0], $0xffff;
	_ =	sdelay $0x4  }
0x4a: {  	[tilespmem:$0x7820] =	vst v2  }
0x4b: {  	v2 =	vld.idx.msk [tilespmem:v1+s18+$0x0], $0xffff;
	_ =	sdelay $0x4  }
0x4c: {  	[tilespmem:$0x7920] =	vst v2  }
0x4d: {  	v2 =	vld.idx.msk [tilespmem:v1+s19+$0x0], $0xffff;
	_ =	sdelay $0x4  }
0x4e: {  	[tilespmem:$0x7A20] =	vst v2  }
0x4f: {  	v1 =	vld.idx.msk [tilespmem:v1+s20+$0x0], $0xffff;
	_ =	sdelay $0x4  }
0x50: {  	[tilespmem:$0x7B20] =	vst v1  }
0x51: {  	v1 =	vld [tilespmem:s4+$0x6430];
	_ =	sdelay $0x7  }
0x52: {  	v2 =	vld.idx.msk [tilespmem:v1+s17+$0x0], $0xffff;
	_ =	sdelay $0x4  }
0x53: {  	[tilespmem:$0x7830] =	vst v2  }
0x54: {  	v2 =	vld.idx.msk [tilespmem:v1+s18+$0x0], $0xffff;
	_ =	sdelay $0x4  }
0x55: {  	[tilespmem:$0x7930] =	vst v2  }
0x56: {  	v2 =	vld.idx.msk [tilespmem:v1+s19+$0x0], $0xffff;
	_ =	sdelay $0x4  }
0x57: {  	[tilespmem:$0x7A30] =	vst v2  }
0x58: {  	v1 =	vld.idx.msk [tilespmem:v1+s20+$0x0], $0xffff;
	_ =	sdelay $0x4  }
0x59: {  	[tilespmem:$0x7B30] =	vst v1  }
0x5a: {  	v1 =	vld [tilespmem:s4+$0x6440];
	_ =	sdelay $0x7  }
0x5b: {  	v2 =	vld.idx.msk [tilespmem:v1+s17+$0x0], $0xffff;
	_ =	sdelay $0x4  }
0x5c: {  	[tilespmem:$0x7840] =	vst v2  }
0x5d: {  	v2 =	vld.idx.msk [tilespmem:v1+s18+$0x0], $0xffff;
	_ =	sdelay $0x4  }
0x5e: {  	[tilespmem:$0x7940] =	vst v2  }
0x5f: {  	v2 =	vld.idx.msk [tilespmem:v1+s19+$0x0], $0xffff;
	_ =	sdelay $0x4  }
0x60: {  	[tilespmem:$0x7A40] =	vst v2  }
0x61: {  	v1 =	vld.idx.msk [tilespmem:v1+s20+$0x0], $0xffff;
	_ =	sdelay $0x4  }
0x62: {  	[tilespmem:$0x7B40] =	vst v1  }
0x63: {  	v1 =	vld [tilespmem:s4+$0x6450];
	_ =	sdelay $0x7  }
0x64: {  	v2 =	vld.idx.msk [tilespmem:v1+s17+$0x0], $0xffff;
	_ =	sdelay $0x4  }
0x65: {  	[tilespmem:$0x7850] =	vst v2  }
0x66: {  	v2 =	vld.idx.msk [tilespmem:v1+s18+$0x0], $0xffff;
	_ =	sdelay $0x4  }
0x67: {  	[tilespmem:$0x7950] =	vst v2  }
0x68: {  	v2 =	vld.idx.msk [tilespmem:v1+s19+$0x0], $0xffff;
	_ =	sdelay $0x4  }
0x69: {  	[tilespmem:$0x7A50] =	vst v2  }
0x6a: {  	v1 =	vld.idx.msk [tilespmem:v1+s20+$0x0], $0xffff;
	_ =	sdelay $0x4  }
0x6b: {  	[tilespmem:$0x7B50] =	vst v1  }
0x6c: {  	v1 =	vld [tilespmem:s4+$0x6460];
	_ =	sdelay $0x7  }
0x6d: {  	v2 =	vld.idx.msk [tilespmem:v1+s17+$0x0], $0xffff;
	_ =	sdelay $0x4  }
0x6e: {  	[tilespmem:$0x7860] =	vst v2  }
0x6f: {  	v2 =	vld.idx.msk [tilespmem:v1+s18+$0x0], $0xffff;
	_ =	sdelay $0x4  }
0x70: {  	[tilespmem:$0x7960] =	vst v2  }
0x71: {  	v2 =	vld.idx.msk [tilespmem:v1+s19+$0x0], $0xffff;
	_ =	sdelay $0x4  }
0x72: {  	[tilespmem:$0x7A60] =	vst v2  }
0x73: {  	v1 =	vld.idx.msk [tilespmem:v1+s20+$0x0], $0xffff;
	_ =	sdelay $0x4  }
0x74: {  	[tilespmem:$0x7B60] =	vst v1  }
0x75: {  	v1 =	vld [tilespmem:s4+$0x6470];
	_ =	sdelay $0x7  }
0x76: {  	v2 =	vld.idx.msk [tilespmem:v1+s17+$0x0], $0xffff;
	_ =	sdelay $0x4  }
0x77: {  	[tilespmem:$0x7870] =	vst v2  }
0x78: {  	v2 =	vld.idx.msk [tilespmem:v1+s18+$0x0], $0xffff;
	_ =	sdelay $0x4  }
0x79: {  	[tilespmem:$0x7970] =	vst v2  }
0x7a: {  	v2 =	vld.idx.msk [tilespmem:v1+s19+$0x0], $0xffff;
	_ =	sdelay $0x4  }
0x7b: {  	[tilespmem:$0x7A70] =	vst v2  }
0x7c: {  	v1 =	vld.idx.msk [tilespmem:v1+s20+$0x0], $0xffff;
	_ =	sdelay $0x4  }
0x7d: {  	[tilespmem:$0x7B70] =	vst v1  }
0x7e: {  	v1 =	vld [tilespmem:s4+$0x6480];
	_ =	sdelay $0x7  }
0x7f: {  	v2 =	vld.idx.msk [tilespmem:v1+s17+$0x0], $0xffff;
	_ =	sdelay $0x4  }
0x80: {  	[tilespmem:$0x7880] =	vst v2  }
0x81: {  	v2 =	vld.idx.msk [tilespmem:v1+s18+$0x0], $0xffff;
	_ =	sdelay $0x4  }
0x82: {  	[tilespmem:$0x7980] =	vst v2  }
0x83: {  	v2 =	vld.idx.msk [tilespmem:v1+s19+$0x0], $0xffff;
	_ =	sdelay $0x4  }
0x84: {  	[tilespmem:$0x7A80] =	vst v2  }
0x85: {  	v1 =	vld.idx.msk [tilespmem:v1+s20+$0x0], $0xffff;
	_ =	sdelay $0x4  }
0x86: {  	[tilespmem:$0x7B80] =	vst v1  }
0x87: {  	v1 =	vld [tilespmem:s4+$0x6490];
	_ =	sdelay $0x7  }
0x88: {  	v2 =	vld.idx.msk [tilespmem:v1+s17+$0x0], $0xffff;
	_ =	sdelay $0x4  }
0x89: {  	[tilespmem:$0x7890] =	vst v2  }
0x8a: {  	v2 =	vld.idx.msk [tilespmem:v1+s18+$0x0], $0xffff;
	_ =	sdelay $0x4  }
0x8b: {  	[tilespmem:$0x7990] =	vst v2  }
0x8c: {  	v2 =	vld.idx.msk [tilespmem:v1+s19+$0x0], $0xffff;
	_ =	sdelay $0x4  }
0x8d: {  	[tilespmem:$0x7A90] =	vst v2  }
0x8e: {  	v1 =	vld.idx.msk [tilespmem:v1+s20+$0x0], $0xffff;
	_ =	sdelay $0x4  }
0x8f: {  	[tilespmem:$0x7B90] =	vst v1  }
0x90: {  	[hbm4b:s10+s3] =	stream.linear.scatter [tilespmem:s9], [sflag:$0x1], $0xA0, $0x38;
	[tilespmem:$0x7C00] =	vst v63  }
0x91: {  	_ =	swait.ge [sflag:s16], $0xA0  }
0x92: {  	[sflag:s16] =	ssyncset.done $0x0  }
0x93: {  	[sflag:s16] =	ssyncadd.s32 $0xFFFFFF60  }
0x94: {  	[hbm4b:s11+s3] =	stream.linear.scatter [tilespmem:s22], [sflag:$0x1], $0xA0, $0x38;
	[tilespmem:$0x7C00] =	vst v63  }
0x95: {  	_ =	swait.ge [sflag:s16], $0xA0  }
0x96: {  	[sflag:s16] =	ssyncset.done $0x0  }
0x97: {  	[sflag:s16] =	ssyncadd.s32 $0xFFFFFF60  }
0x98: {  	[hbm4b:s12+s3] =	stream.linear.scatter [tilespmem:s23], [sflag:$0x1], $0xA0, $0x38;
	[tilespmem:$0x7C00] =	vst v63  }
0x99: {  	_ =	swait.ge [sflag:s16], $0xA0  }
0x9a: {  	[sflag:s16] =	ssyncset.done $0x0  }
0x9b: {  	[sflag:s16] =	ssyncadd.s32 $0xFFFFFF60  }
0x9c: {  	[hbm4b:s13+s3] =	stream.linear.scatter [tilespmem:s24], [sflag:$0x1], $0xA0, $0x38;
	[tilespmem:$0x7C00] =	vst v63  }
0x9d: {  	s26 =	sadd.s32 $0x1, s26;
	_ =	swait.ge [sflag:s16], $0xA0  }
0x9e: {  	p0 =	sne.s32 s26, s15;
	[sflag:s16] =	ssyncset.done $0x0  }
.Ltmp1:
0x9f: {  	[sflag:s16] =	ssyncadd.s32 $0xFFFFFF60;
	(pc) =	sbr.rel @p0 .LBB2_1-.Ltmp1, $4  }
0xa0: {  	[hbm4b:s14+s3] =	stream.linear.scatter [tilespmem:s25], [sflag:$0x1], $0xA0, $0x38;
	[tilespmem:$0x7C00] =	vst v63  }
0xa1: {  	_ =	swait.ge [sflag:s16], $0xA0  }
0xa2: {  	[sflag:s16] =	ssyncset.done $0x0  }
0xa3: {  	[sflag:s16] =	ssyncadd.s32 $0xFFFFFF60  }
0xa4: {  	_ =	sfence.sel $0x180000  }
0xa5: {  	[bflag:$0x0] =	sbarrier.arrive $0xFFFF  }
0xa6: {  	p0 =	sne.s32 s1, $0x0;
	_ =	strace $0x90000047  }
0xa7: {  	s0 =	sadd.s32 @!p0 $0x100000, s0;
	[bflag:$0x2] =	sbarrier.arrive $0xFFFF  }
0xa8: {  	[sflag:s0] =	ssyncadd.tile.s32 @!p0 $0x1;
	_ =	shalt  }
.Lfunc_end2:
_tile_overlayer_lowered:
.L_overlay_start_2:
0xa9: {  	(tag) =	ssettag $0x2  }
0xaa: {  	s0 =	rddreg [dreg:$0x0];
	s2 =	stileid.u32  }
0xab: {  	s1 =	rddreg [dreg:$0x1];
	p0 =	sne.s32 s2, $0x0  }
0xac: {  	s3 =	rddreg [dreg:$0x2];
	[bflag:$0x3] =	sbarrier.arrive $0xFFFF;
	s2 =	simm.s32 @!p0 $0x1C01  }
0xad: {  	[timem:s3], [sflag:s2] =	dma.local @!p0 [hbm:s0], s1  }
0xae: {  	s0 =	simm.s32 @!p0 $0x1  }
0xaf: {  	_ =	swait.ge @!p0 [sflag:s0], s1  }
0xb0: {  	s1 =	ssub.s32 @!p0 $0x0, s1;
	[sflag:s0] =	ssyncset.done @!p0 $0x0  }
0xb1: {  	[sflag:s0] =	ssyncadd.s32 @!p0 s1  }
0xb2: {  	[bflag:$0x3] =	sbarrier.arrive $0xFFFF  }
0xb3: {  	_ =	shalt  }

</sc_bundles>
